<compile_context>
chip_gen: v7x
topology: tpu7x:2x2x1
jax: 0.10.2.dev20260603
libtpu: 0.0.44.dev20260713+nightly
codegen_flags: <defaults>
</compile_context>

<pallas_src>
import functools

import jax
import jax.numpy as jnp
from jax import lax
from jax.experimental import pallas as pl
from jax.experimental.pallas import tpu as pltpu
from jax.experimental.pallas import tpu_sc as plsc

_MAX_SEQUENCE_LENGTH = 10000

_NC, _NS, _L = 2, 16, 16
_NW = _NC * _NS


def _positional_encoding(seq_len, d_model):
    position = jnp.arange(seq_len, dtype=jnp.float32).reshape(seq_len, 1)
    dim = jnp.floor_divide(jnp.linspace(0.0, d_model - 1, d_model), 2.0) * 2.0
    dim = dim / d_model
    denom = jnp.power(jnp.float32(_MAX_SEQUENCE_LENGTH), dim)
    angles = position / denom
    col = jnp.arange(d_model)
    return jnp.where(col % 2 == 0, jnp.sin(angles), jnp.cos(angles)).astype(jnp.float32)


@functools.cache
def _build(B, S, D):
    N = B * S
    chunk = B // _NW
    nchunk = S
    rows_per_w = chunk * nchunk
    assert B % _NW == 0 and chunk <= 128 and chunk % _L == 0
    assert D % _L == 0
    assert nchunk % 3 == 2 and nchunk >= 8

    mesh = plsc.VectorSubcoreMesh(core_axis_name="c", subcore_axis_name="s")

    rows_t = pltpu.VMEM((chunk, D), jnp.float32)
    oidx_t = pltpu.VMEM((chunk,), jnp.int32)

    @functools.partial(
        pl.kernel,
        mesh=mesh,
        out_type=jax.ShapeDtypeStruct((N, D), jnp.float32),
        scratch_types=[
            pltpu.VMEM((rows_per_w,), jnp.int32),
            pltpu.VMEM((S, D), jnp.float32),
            rows_t, rows_t, rows_t,
            oidx_t, oidx_t, oidx_t,
            pltpu.SemaphoreType.DMA, pltpu.SemaphoreType.DMA,
            pltpu.SemaphoreType.DMA, pltpu.SemaphoreType.DMA,
            pltpu.SemaphoreType.DMA, pltpu.SemaphoreType.DMA,
        ],
    )
    def emb(idx_hbm, table_hbm, pe_hbm, out_hbm,
            idx_v, pe_v, rb0, rb1, rb2, ox0, ox1, ox2, g0, g1, g2, s0, s1, s2):
        wid = lax.axis_index("s") * _NC + lax.axis_index("c")
        base = wid * rows_per_w
        pltpu.sync_copy(idx_hbm.at[pl.ds(base, rows_per_w)], idx_v)
        pltpu.sync_copy(pe_hbm, pe_v)

        bufs = (rb0, rb1, rb2)
        oxs = (ox0, ox1, ox2)
        gsems = (g0, g1, g2)
        ssems = (s0, s1, s2)
        jbase = wid * chunk * S

        def gcopy(c, b):
            return pltpu.make_async_copy(
                table_hbm.at[idx_v.at[pl.ds(c * chunk, chunk)]], bufs[b], gsems[b])

        half = chunk // 2

        def gstart2(c, b):
            pltpu.make_async_copy(
                table_hbm.at[idx_v.at[pl.ds(c * chunk, half)]],
                bufs[b].at[pl.ds(0, half)], gsems[b]).start()
            pltpu.make_async_copy(
                table_hbm.at[idx_v.at[pl.ds(c * chunk + half, half)]],
                bufs[b].at[pl.ds(half, half)], gsems[b]).start()

        def scopy(b):
            return pltpu.make_async_copy(bufs[b], out_hbm.at[oxs[b]], ssems[b])

        def add_pe_and_oidx(c, b):
            buf, ox = bufs[b], oxs[b]
            obase = jbase + c
            for g in range(chunk // _L):
                lane = lax.iota(jnp.int32, _L) + (g * _L)
                ox[pl.ds(g * _L, _L)] = lane * S + obase
            pe_regs = [pe_v[c, pl.ds(g * _L, _L)] for g in range(D // _L)]

            del pe_regs, buf

        def step(c, b, *, swait_prev=True, gstart_ahead=True):
            gcopy(c, b).wait()
            add_pe_and_oidx(c, b)
            del swait_prev
            if gstart_ahead:
                gstart2(c + 2, (b + 2) % 3)

        gstart2(0, 0)
        gstart2(1, 1)
        step(0, 0, swait_prev=False)
        step(1, 1)
        step(2, 2)

        def mid(p, carry):
            c = p * 3
            for u in range(3):
                step(c + u, u)
            return carry

        lax.fori_loop(1, nchunk // 3, mid, 0)

        step(nchunk - 2, 0, gstart_ahead=False)
        step(nchunk - 1, 1, gstart_ahead=False)

    return emb


def kernel(x, token_embedding_weight):
    B, S = x.shape
    _, D = token_embedding_weight.shape
    pe = _positional_encoding(S, D)
    idx = (x.reshape(_NW, B // _NW, S)
             .transpose(0, 2, 1)
             .reshape(-1)
             .astype(jnp.int32))
    out = _build(B, S, D)(idx, token_embedding_weight, pe)
    return out.reshape(B, S, D)

# --- scband reference (transcript-rebuilt; emitter-appended) ---
"""Pipeline reference for scband-gpt-79972291051816 (READ-ONLY COPY).

The authoritative reference and input builder live on the scoring server;
editing this copy changes nothing except your own understanding.
"""

import jax, jax.numpy as jnp
import numpy as np

MAX_SEQUENCE_LENGTH = 10000
D_MODEL = 128
VOCAB = 100000


def generate_positional_encoding(max_seq_len, d_model):
    position_vector = jnp.linspace(0.0, max_seq_len - 1, max_seq_len).reshape(max_seq_len, 1)
    dimension_vector = jnp.floor_divide(jnp.linspace(0.0, d_model - 1, d_model), 2.0) * 2.0
    dimension_vector = dimension_vector / d_model
    dimension_matrix = jnp.power(jnp.float32(max_seq_len), dimension_vector)  # broadcasts to (max_seq_len, d_model)
    angles = position_vector / dimension_matrix  # (max_seq_len, d_model)
    col_idx = jnp.arange(d_model)
    pe = jnp.where(col_idx % 2 == 0, jnp.sin(angles), jnp.cos(angles))
    return pe.astype(jnp.float32)


def setup_inputs(seed: int = 0) -> dict:
    key = jax.random.key(seed)
    k_idx, k_tab = jax.random.split(key)
    x = jax.random.randint(k_idx, (4096, 200), 0, VOCAB, dtype=jnp.int64)
    # nn.Embedding default init: N(0, 1)
    token_embedding_weight = jax.random.normal(k_tab, (VOCAB, D_MODEL), dtype=jnp.float32)
    return {"x": x, "token_embedding_weight": token_embedding_weight}


def reference(x, token_embedding_weight):
    # Faithful translation of GPT.forward: embedding lookup + positional encodings.
    pe = generate_positional_encoding(MAX_SEQUENCE_LENGTH, D_MODEL)
    token_embeddings = jnp.take(token_embedding_weight, x, axis=0)  # (B, S, d_model)
    full_embeddings = token_embeddings + pe[: x.shape[1]]
    return full_embeddings

if __name__ == "__main__":
    import jax
    _d = setup_inputs()
    print(jax.jit(kernel)(*tuple(_d.values())))

</pallas_src>

<mosaic_0001>
#map = affine_map<(d0, d1) -> (0)>
#map1 = affine_map<(d0, d1) -> (0, 0)>
module attributes {stable_mosaic.version = 14 : i64} {
  func.func @emb(%arg0: i32, %arg1: i32, %arg2: memref<819200xi32, #tpu.memory_space<hbm>>, %arg3: memref<100000x128xf32, #tpu.memory_space<hbm>>, %arg4: memref<200x128xf32, #tpu.memory_space<hbm>>, %arg5: memref<819200x128xf32, #tpu.memory_space<hbm>>, %arg6: memref<25600xi32, #tpu.memory_space<vmem>>, %arg7: memref<200x128xf32, #tpu.memory_space<vmem>>, %arg8: memref<128x128xf32, #tpu.memory_space<vmem>>, %arg9: memref<128x128xf32, #tpu.memory_space<vmem>>, %arg10: memref<128x128xf32, #tpu.memory_space<vmem>>, %arg11: memref<128xi32, #tpu.memory_space<vmem>>, %arg12: memref<128xi32, #tpu.memory_space<vmem>>, %arg13: memref<128xi32, #tpu.memory_space<vmem>>, %arg14: memref<!tpu.dma_semaphore, #tpu.memory_space<semaphore_mem>>, %arg15: memref<!tpu.dma_semaphore, #tpu.memory_space<semaphore_mem>>, %arg16: memref<!tpu.dma_semaphore, #tpu.memory_space<semaphore_mem>>, %arg17: memref<!tpu.dma_semaphore, #tpu.memory_space<semaphore_mem>>, %arg18: memref<!tpu.dma_semaphore, #tpu.memory_space<semaphore_mem>>, %arg19: memref<!tpu.dma_semaphore, #tpu.memory_space<semaphore_mem>>) attributes {dimension_semantics = [#tpu.dimension_semantics<core_parallel>, #tpu.dimension_semantics<subcore_parallel>], iteration_bounds = array<i64: 2, 16>, scalar_prefetch = 0 : i64, scratch_operands = 14 : i64, tpu.core_type = #tpu.core_type<sc_vector_subcore>, window_params = [{transform_indices = #map}, {transform_indices = #map1}, {transform_indices = #map1}, {transform_indices = #map1}]} {
    %mul3A = arith.constant 2 : i32
    %mul3A_0 = arith.muli %arg1, %mul3A : i32
    %add3A = arith.addi %mul3A_0, %arg0 : i32
    %mul3A_1 = arith.constant 25600 : i32
    %mul3A_2 = arith.muli %add3A, %mul3A_1 : i32
    "tpu.region"() ({
      %run_scoped3A = tpu.sem_alloc : memref<!tpu.dma_semaphore, #tpu.memory_space<semaphore_mem>>
      %dma_start3A_842 = tpu.memref_slice %arg2[%mul3A_2] : memref<819200xi32, #tpu.memory_space<hbm>> -> memref<25600xi32, #tpu.memory_space<hbm>>
      %dma_start3A_843 = tpu.memref_slice %arg2[%mul3A_2] : memref<819200xi32, #tpu.memory_space<hbm>> -> memref<25600xi32, #tpu.memory_space<hbm>>
      tpu.enqueue_dma source(%dma_start3A_843 : memref<25600xi32, #tpu.memory_space<hbm>>) target(%arg6 : memref<25600xi32, #tpu.memory_space<vmem>>) target_semaphore(%run_scoped3A : memref<!tpu.dma_semaphore, #tpu.memory_space<semaphore_mem>>)
      %dma_wait3A_844 = tpu.memref_slice %arg2[%mul3A_2] : memref<819200xi32, #tpu.memory_space<hbm>> -> memref<25600xi32, #tpu.memory_space<hbm>>
      %dma_wait3A_845 = tpu.memref_slice %arg2[%mul3A_2] : memref<819200xi32, #tpu.memory_space<hbm>> -> memref<25600xi32, #tpu.memory_space<hbm>>
      tpu.wait_dma2 semaphore(%run_scoped3A : memref<!tpu.dma_semaphore, #tpu.memory_space<semaphore_mem>>) src(%dma_wait3A_845 : memref<25600xi32, #tpu.memory_space<hbm>>) dst(%arg6 : memref<25600xi32, #tpu.memory_space<vmem>>)
      tpu.yield
    }) : () -> ()
    "tpu.region"() ({
      %run_scoped3A = tpu.sem_alloc : memref<!tpu.dma_semaphore, #tpu.memory_space<semaphore_mem>>
      tpu.enqueue_dma source(%arg4 : memref<200x128xf32, #tpu.memory_space<hbm>>) target(%arg7 : memref<200x128xf32, #tpu.memory_space<vmem>>) target_semaphore(%run_scoped3A : memref<!tpu.dma_semaphore, #tpu.memory_space<semaphore_mem>>)
      tpu.wait_dma2 semaphore(%run_scoped3A : memref<!tpu.dma_semaphore, #tpu.memory_space<semaphore_mem>>) src(%arg4 : memref<200x128xf32, #tpu.memory_space<hbm>>) dst(%arg7 : memref<200x128xf32, #tpu.memory_space<vmem>>)
      tpu.yield
    }) : () -> ()
    %mul3A_3 = arith.constant 128 : i32
    %mul3A_4 = arith.muli %add3A, %mul3A_3 : i32
    %mul3A_5 = arith.constant 200 : i32
    %mul3A_6 = arith.muli %mul3A_4, %mul3A_5 : i32
    %dma_start3A = arith.constant 0 : i32
    %dma_start3A_7 = arith.constant 0 : i32
    %dma_start3A_8 = tpu.memref_slice %arg8[%dma_start3A, %dma_start3A_7] : memref<128x128xf32, #tpu.memory_space<vmem>> -> memref<64x128xf32, #tpu.memory_space<vmem>>
    %dma_start3A_9 = arith.constant 0 : i32
    %dma_start3A_10 = tpu.memref_slice %arg6[%dma_start3A_9] : memref<25600xi32, #tpu.memory_space<vmem>> -> memref<64xi32, #tpu.memory_space<vmem>>
    %dma_start3A_11 = arith.constant 0 : i32
    %dma_start3A_12 = arith.constant 0 : i32
    %dma_start3A_13 = tpu.memref_slice %arg3[%dma_start3A_11, %dma_start3A_12] : memref<100000x128xf32, #tpu.memory_space<hbm>> -> memref<100000x128xf32, #tpu.memory_space<hbm>>
    tpu.enqueue_indirect_dma source(%dma_start3A_13 : memref<100000x128xf32, #tpu.memory_space<hbm>>) target(%dma_start3A_8 : memref<64x128xf32, #tpu.memory_space<vmem>>) offsets(%dma_start3A_10 : memref<64xi32, #tpu.memory_space<vmem>>) semaphore(%arg14 : memref<!tpu.dma_semaphore, #tpu.memory_space<semaphore_mem>>)
    %dma_start3A_14 = arith.constant 64 : i32
    %dma_start3A_15 = arith.constant 0 : i32
    %dma_start3A_16 = tpu.memref_slice %arg8[%dma_start3A_14, %dma_start3A_15] : memref<128x128xf32, #tpu.memory_space<vmem>> -> memref<64x128xf32, #tpu.memory_space<vmem>>
    %dma_start3A_17 = arith.constant 64 : i32
    %dma_start3A_18 = tpu.memref_slice %arg6[%dma_start3A_17] : memref<25600xi32, #tpu.memory_space<vmem>> -> memref<64xi32, #tpu.memory_space<vmem>>
    %dma_start3A_19 = arith.constant 0 : i32
    %dma_start3A_20 = arith.constant 0 : i32
    %dma_start3A_21 = tpu.memref_slice %arg3[%dma_start3A_19, %dma_start3A_20] : memref<100000x128xf32, #tpu.memory_space<hbm>> -> memref<100000x128xf32, #tpu.memory_space<hbm>>
    tpu.enqueue_indirect_dma source(%dma_start3A_21 : memref<100000x128xf32, #tpu.memory_space<hbm>>) target(%dma_start3A_16 : memref<64x128xf32, #tpu.memory_space<vmem>>) offsets(%dma_start3A_18 : memref<64xi32, #tpu.memory_space<vmem>>) semaphore(%arg14 : memref<!tpu.dma_semaphore, #tpu.memory_space<semaphore_mem>>)
    %dma_start3A_22 = arith.constant 0 : i32
    %dma_start3A_23 = arith.constant 0 : i32
    %dma_start3A_24 = tpu.memref_slice %arg9[%dma_start3A_22, %dma_start3A_23] : memref<128x128xf32, #tpu.memory_space<vmem>> -> memref<64x128xf32, #tpu.memory_space<vmem>>
    %dma_start3A_25 = arith.constant 128 : i32
    %dma_start3A_26 = tpu.memref_slice %arg6[%dma_start3A_25] : memref<25600xi32, #tpu.memory_space<vmem>> -> memref<64xi32, #tpu.memory_space<vmem>>
    %dma_start3A_27 = arith.constant 0 : i32
    %dma_start3A_28 = arith.constant 0 : i32
    %dma_start3A_29 = tpu.memref_slice %arg3[%dma_start3A_27, %dma_start3A_28] : memref<100000x128xf32, #tpu.memory_space<hbm>> -> memref<100000x128xf32, #tpu.memory_space<hbm>>
    tpu.enqueue_indirect_dma source(%dma_start3A_29 : memref<100000x128xf32, #tpu.memory_space<hbm>>) target(%dma_start3A_24 : memref<64x128xf32, #tpu.memory_space<vmem>>) offsets(%dma_start3A_26 : memref<64xi32, #tpu.memory_space<vmem>>) semaphore(%arg15 : memref<!tpu.dma_semaphore, #tpu.memory_space<semaphore_mem>>)
    %dma_start3A_30 = arith.constant 64 : i32
    %dma_start3A_31 = arith.constant 0 : i32
    %dma_start3A_32 = tpu.memref_slice %arg9[%dma_start3A_30, %dma_start3A_31] : memref<128x128xf32, #tpu.memory_space<vmem>> -> memref<64x128xf32, #tpu.memory_space<vmem>>
    %dma_start3A_33 = arith.constant 192 : i32
    %dma_start3A_34 = tpu.memref_slice %arg6[%dma_start3A_33] : memref<25600xi32, #tpu.memory_space<vmem>> -> memref<64xi32, #tpu.memory_space<vmem>>
    %dma_start3A_35 = arith.constant 0 : i32
    %dma_start3A_36 = arith.constant 0 : i32
    %dma_start3A_37 = tpu.memref_slice %arg3[%dma_start3A_35, %dma_start3A_36] : memref<100000x128xf32, #tpu.memory_space<hbm>> -> memref<100000x128xf32, #tpu.memory_space<hbm>>
    tpu.enqueue_indirect_dma source(%dma_start3A_37 : memref<100000x128xf32, #tpu.memory_space<hbm>>) target(%dma_start3A_32 : memref<64x128xf32, #tpu.memory_space<vmem>>) offsets(%dma_start3A_34 : memref<64xi32, #tpu.memory_space<vmem>>) semaphore(%arg15 : memref<!tpu.dma_semaphore, #tpu.memory_space<semaphore_mem>>)
    %dma_wait3A = arith.constant 0 : i32
    %dma_wait3A_38 = tpu.memref_slice %arg6[%dma_wait3A] : memref<25600xi32, #tpu.memory_space<vmem>> -> memref<128xi32, #tpu.memory_space<vmem>>
    %dma_wait3A_39 = arith.constant 0 : i32
    %dma_wait3A_40 = arith.constant 0 : i32
    %dma_wait3A_41 = tpu.memref_slice %arg3[%dma_wait3A_39, %dma_wait3A_40] : memref<100000x128xf32, #tpu.memory_space<hbm>> -> memref<100000x128xf32, #tpu.memory_space<hbm>>
    tpu.wait_indirect_dma semaphore(%arg14 : memref<!tpu.dma_semaphore, #tpu.memory_space<semaphore_mem>>) src(%dma_wait3A_41 : memref<100000x128xf32, #tpu.memory_space<hbm>>) dst(%arg8 : memref<128x128xf32, #tpu.memory_space<vmem>>)
    %add3A_42 = arith.constant 0 : i32
    %add3A_43 = arith.addi %mul3A_6, %add3A_42 : i32
    %iota3A = tpu.iota {dimensions = array<i32: 0>} : vector<16xi32>
    %add3A_44 = arith.constant 0 : i32
    %add3A_45 = vector.broadcast %add3A_44 : i32 to vector<16xi32>
    %add3A_46 = arith.addi %iota3A, %add3A_45 : vector<16xi32>
    %mul3A_47 = arith.constant 200 : i32
    %mul3A_48 = vector.broadcast %mul3A_47 : i32 to vector<16xi32>
    %mul3A_49 = arith.muli %add3A_46, %mul3A_48 : vector<16xi32>
    %add3A_50 = vector.broadcast %add3A_43 : i32 to vector<16xi32>
    %add3A_51 = arith.addi %mul3A_49, %add3A_50 : vector<16xi32>
    %swap3A = arith.constant 0 : index
    %swap3A_52 = tpu.vector_load %arg11[%swap3A] {strides = array<i32>} : memref<128xi32, #tpu.memory_space<vmem>>, vector<16xi32>,
    %swap3A_53 = vector.shape_cast %swap3A_52 : vector<16xi32> to vector<16xi32>
    %swap3A_54 = vector.shape_cast %add3A_51 : vector<16xi32> to vector<16xi32>
    tpu.vector_store %arg11[%swap3A], %swap3A_54 {strides = array<i32>} : memref<128xi32, #tpu.memory_space<vmem>>, vector<16xi32>,
    %iota3A_55 = tpu.iota {dimensions = array<i32: 0>} : vector<16xi32>
    %add3A_56 = arith.constant 16 : i32
    %add3A_57 = vector.broadcast %add3A_56 : i32 to vector<16xi32>
    %add3A_58 = arith.addi %iota3A_55, %add3A_57 : vector<16xi32>
    %mul3A_59 = arith.constant 200 : i32
    %mul3A_60 = vector.broadcast %mul3A_59 : i32 to vector<16xi32>
    %mul3A_61 = arith.muli %add3A_58, %mul3A_60 : vector<16xi32>
    %add3A_62 = vector.broadcast %add3A_43 : i32 to vector<16xi32>
    %add3A_63 = arith.addi %mul3A_61, %add3A_62 : vector<16xi32>
    %swap3A_64 = arith.constant 16 : index
    %swap3A_65 = tpu.vector_load %arg11[%swap3A_64] {strides = array<i32>} : memref<128xi32, #tpu.memory_space<vmem>>, vector<16xi32>,
    %swap3A_66 = vector.shape_cast %swap3A_65 : vector<16xi32> to vector<16xi32>
    %swap3A_67 = vector.shape_cast %add3A_63 : vector<16xi32> to vector<16xi32>
    tpu.vector_store %arg11[%swap3A_64], %swap3A_67 {strides = array<i32>} : memref<128xi32, #tpu.memory_space<vmem>>, vector<16xi32>,
    %iota3A_68 = tpu.iota {dimensions = array<i32: 0>} : vector<16xi32>
    %add3A_69 = arith.constant 32 : i32
    %add3A_70 = vector.broadcast %add3A_69 : i32 to vector<16xi32>
    %add3A_71 = arith.addi %iota3A_68, %add3A_70 : vector<16xi32>
    %mul3A_72 = arith.constant 200 : i32
    %mul3A_73 = vector.broadcast %mul3A_72 : i32 to vector<16xi32>
    %mul3A_74 = arith.muli %add3A_71, %mul3A_73 : vector<16xi32>
    %add3A_75 = vector.broadcast %add3A_43 : i32 to vector<16xi32>
    %add3A_76 = arith.addi %mul3A_74, %add3A_75 : vector<16xi32>
    %swap3A_77 = arith.constant 32 : index
    %swap3A_78 = tpu.vector_load %arg11[%swap3A_77] {strides = array<i32>} : memref<128xi32, #tpu.memory_space<vmem>>, vector<16xi32>,
    %swap3A_79 = vector.shape_cast %swap3A_78 : vector<16xi32> to vector<16xi32>
    %swap3A_80 = vector.shape_cast %add3A_76 : vector<16xi32> to vector<16xi32>
    tpu.vector_store %arg11[%swap3A_77], %swap3A_80 {strides = array<i32>} : memref<128xi32, #tpu.memory_space<vmem>>, vector<16xi32>,
    %iota3A_81 = tpu.iota {dimensions = array<i32: 0>} : vector<16xi32>
    %add3A_82 = arith.constant 48 : i32
    %add3A_83 = vector.broadcast %add3A_82 : i32 to vector<16xi32>
    %add3A_84 = arith.addi %iota3A_81, %add3A_83 : vector<16xi32>
    %mul3A_85 = arith.constant 200 : i32
    %mul3A_86 = vector.broadcast %mul3A_85 : i32 to vector<16xi32>
    %mul3A_87 = arith.muli %add3A_84, %mul3A_86 : vector<16xi32>
    %add3A_88 = vector.broadcast %add3A_43 : i32 to vector<16xi32>
    %add3A_89 = arith.addi %mul3A_87, %add3A_88 : vector<16xi32>
    %swap3A_90 = arith.constant 48 : index
    %swap3A_91 = tpu.vector_load %arg11[%swap3A_90] {strides = array<i32>} : memref<128xi32, #tpu.memory_space<vmem>>, vector<16xi32>,
    %swap3A_92 = vector.shape_cast %swap3A_91 : vector<16xi32> to vector<16xi32>
    %swap3A_93 = vector.shape_cast %add3A_89 : vector<16xi32> to vector<16xi32>
    tpu.vector_store %arg11[%swap3A_90], %swap3A_93 {strides = array<i32>} : memref<128xi32, #tpu.memory_space<vmem>>, vector<16xi32>,
    %iota3A_94 = tpu.iota {dimensions = array<i32: 0>} : vector<16xi32>
    %add3A_95 = arith.constant 64 : i32
    %add3A_96 = vector.broadcast %add3A_95 : i32 to vector<16xi32>
    %add3A_97 = arith.addi %iota3A_94, %add3A_96 : vector<16xi32>
    %mul3A_98 = arith.constant 200 : i32
    %mul3A_99 = vector.broadcast %mul3A_98 : i32 to vector<16xi32>
    %mul3A_100 = arith.muli %add3A_97, %mul3A_99 : vector<16xi32>
    %add3A_101 = vector.broadcast %add3A_43 : i32 to vector<16xi32>
    %add3A_102 = arith.addi %mul3A_100, %add3A_101 : vector<16xi32>
    %swap3A_103 = arith.constant 64 : index
    %swap3A_104 = tpu.vector_load %arg11[%swap3A_103] {strides = array<i32>} : memref<128xi32, #tpu.memory_space<vmem>>, vector<16xi32>,
    %swap3A_105 = vector.shape_cast %swap3A_104 : vector<16xi32> to vector<16xi32>
    %swap3A_106 = vector.shape_cast %add3A_102 : vector<16xi32> to vector<16xi32>
    tpu.vector_store %arg11[%swap3A_103], %swap3A_106 {strides = array<i32>} : memref<128xi32, #tpu.memory_space<vmem>>, vector<16xi32>,
    %iota3A_107 = tpu.iota {dimensions = array<i32: 0>} : vector<16xi32>
    %add3A_108 = arith.constant 80 : i32
    %add3A_109 = vector.broadcast %add3A_108 : i32 to vector<16xi32>
    %add3A_110 = arith.addi %iota3A_107, %add3A_109 : vector<16xi32>
    %mul3A_111 = arith.constant 200 : i32
    %mul3A_112 = vector.broadcast %mul3A_111 : i32 to vector<16xi32>
    %mul3A_113 = arith.muli %add3A_110, %mul3A_112 : vector<16xi32>
    %add3A_114 = vector.broadcast %add3A_43 : i32 to vector<16xi32>
    %add3A_115 = arith.addi %mul3A_113, %add3A_114 : vector<16xi32>
    %swap3A_116 = arith.constant 80 : index
    %swap3A_117 = tpu.vector_load %arg11[%swap3A_116] {strides = array<i32>} : memref<128xi32, #tpu.memory_space<vmem>>, vector<16xi32>,
    %swap3A_118 = vector.shape_cast %swap3A_117 : vector<16xi32> to vector<16xi32>
    %swap3A_119 = vector.shape_cast %add3A_115 : vector<16xi32> to vector<16xi32>
    tpu.vector_store %arg11[%swap3A_116], %swap3A_119 {strides = array<i32>} : memref<128xi32, #tpu.memory_space<vmem>>, vector<16xi32>,
    %iota3A_120 = tpu.iota {dimensions = array<i32: 0>} : vector<16xi32>
    %add3A_121 = arith.constant 96 : i32
    %add3A_122 = vector.broadcast %add3A_121 : i32 to vector<16xi32>
    %add3A_123 = arith.addi %iota3A_120, %add3A_122 : vector<16xi32>
    %mul3A_124 = arith.constant 200 : i32
    %mul3A_125 = vector.broadcast %mul3A_124 : i32 to vector<16xi32>
    %mul3A_126 = arith.muli %add3A_123, %mul3A_125 : vector<16xi32>
    %add3A_127 = vector.broadcast %add3A_43 : i32 to vector<16xi32>
    %add3A_128 = arith.addi %mul3A_126, %add3A_127 : vector<16xi32>
    %swap3A_129 = arith.constant 96 : index
    %swap3A_130 = tpu.vector_load %arg11[%swap3A_129] {strides = array<i32>} : memref<128xi32, #tpu.memory_space<vmem>>, vector<16xi32>,
    %swap3A_131 = vector.shape_cast %swap3A_130 : vector<16xi32> to vector<16xi32>
    %swap3A_132 = vector.shape_cast %add3A_128 : vector<16xi32> to vector<16xi32>
    tpu.vector_store %arg11[%swap3A_129], %swap3A_132 {strides = array<i32>} : memref<128xi32, #tpu.memory_space<vmem>>, vector<16xi32>,
    %iota3A_133 = tpu.iota {dimensions = array<i32: 0>} : vector<16xi32>
    %add3A_134 = arith.constant 112 : i32
    %add3A_135 = vector.broadcast %add3A_134 : i32 to vector<16xi32>
    %add3A_136 = arith.addi %iota3A_133, %add3A_135 : vector<16xi32>
    %mul3A_137 = arith.constant 200 : i32
    %mul3A_138 = vector.broadcast %mul3A_137 : i32 to vector<16xi32>
    %mul3A_139 = arith.muli %add3A_136, %mul3A_138 : vector<16xi32>
    %add3A_140 = vector.broadcast %add3A_43 : i32 to vector<16xi32>
    %add3A_141 = arith.addi %mul3A_139, %add3A_140 : vector<16xi32>
    %swap3A_142 = arith.constant 112 : index
    %swap3A_143 = tpu.vector_load %arg11[%swap3A_142] {strides = array<i32>} : memref<128xi32, #tpu.memory_space<vmem>>, vector<16xi32>,
    %swap3A_144 = vector.shape_cast %swap3A_143 : vector<16xi32> to vector<16xi32>
    %swap3A_145 = vector.shape_cast %add3A_141 : vector<16xi32> to vector<16xi32>
    tpu.vector_store %arg11[%swap3A_142], %swap3A_145 {strides = array<i32>} : memref<128xi32, #tpu.memory_space<vmem>>, vector<16xi32>,
    %get3A = arith.constant 0 : i32
    %get3A_146 = arith.index_cast %get3A : i32 to index
    %get3A_147 = arith.constant 0 : index
    %get3A_148 = tpu.vector_load %arg7[%get3A_146, %get3A_147] {strides = array<i32>} : memref<200x128xf32, #tpu.memory_space<vmem>>, vector<1x16xf32>,
    %get3A_149 = vector.shape_cast %get3A_148 : vector<1x16xf32> to vector<16xf32>
    %get3A_150 = arith.constant 0 : i32
    %get3A_151 = arith.index_cast %get3A_150 : i32 to index
    %get3A_152 = arith.constant 16 : index
    %get3A_153 = tpu.vector_load %arg7[%get3A_151, %get3A_152] {strides = array<i32>} : memref<200x128xf32, #tpu.memory_space<vmem>>, vector<1x16xf32>,
    %get3A_154 = vector.shape_cast %get3A_153 : vector<1x16xf32> to vector<16xf32>
    %get3A_155 = arith.constant 0 : i32
    %get3A_156 = arith.index_cast %get3A_155 : i32 to index
    %get3A_157 = arith.constant 32 : index
    %get3A_158 = tpu.vector_load %arg7[%get3A_156, %get3A_157] {strides = array<i32>} : memref<200x128xf32, #tpu.memory_space<vmem>>, vector<1x16xf32>,
    %get3A_159 = vector.shape_cast %get3A_158 : vector<1x16xf32> to vector<16xf32>
    %get3A_160 = arith.constant 0 : i32
    %get3A_161 = arith.index_cast %get3A_160 : i32 to index
    %get3A_162 = arith.constant 48 : index
    %get3A_163 = tpu.vector_load %arg7[%get3A_161, %get3A_162] {strides = array<i32>} : memref<200x128xf32, #tpu.memory_space<vmem>>, vector<1x16xf32>,
    %get3A_164 = vector.shape_cast %get3A_163 : vector<1x16xf32> to vector<16xf32>
    %get3A_165 = arith.constant 0 : i32
    %get3A_166 = arith.index_cast %get3A_165 : i32 to index
    %get3A_167 = arith.constant 64 : index
    %get3A_168 = tpu.vector_load %arg7[%get3A_166, %get3A_167] {strides = array<i32>} : memref<200x128xf32, #tpu.memory_space<vmem>>, vector<1x16xf32>,
    %get3A_169 = vector.shape_cast %get3A_168 : vector<1x16xf32> to vector<16xf32>
    %get3A_170 = arith.constant 0 : i32
    %get3A_171 = arith.index_cast %get3A_170 : i32 to index
    %get3A_172 = arith.constant 80 : index
    %get3A_173 = tpu.vector_load %arg7[%get3A_171, %get3A_172] {strides = array<i32>} : memref<200x128xf32, #tpu.memory_space<vmem>>, vector<1x16xf32>,
    %get3A_174 = vector.shape_cast %get3A_173 : vector<1x16xf32> to vector<16xf32>
    %get3A_175 = arith.constant 0 : i32
    %get3A_176 = arith.index_cast %get3A_175 : i32 to index
    %get3A_177 = arith.constant 96 : index
    %get3A_178 = tpu.vector_load %arg7[%get3A_176, %get3A_177] {strides = array<i32>} : memref<200x128xf32, #tpu.memory_space<vmem>>, vector<1x16xf32>,
    %get3A_179 = vector.shape_cast %get3A_178 : vector<1x16xf32> to vector<16xf32>
    %get3A_180 = arith.constant 0 : i32
    %get3A_181 = arith.index_cast %get3A_180 : i32 to index
    %get3A_182 = arith.constant 112 : index
    %get3A_183 = tpu.vector_load %arg7[%get3A_181, %get3A_182] {strides = array<i32>} : memref<200x128xf32, #tpu.memory_space<vmem>>, vector<1x16xf32>,
    %get3A_184 = vector.shape_cast %get3A_183 : vector<1x16xf32> to vector<16xf32>
    %dma_start3A_185 = arith.constant 0 : i32
    %dma_start3A_186 = arith.constant 0 : i32
    %dma_start3A_187 = tpu.memref_slice %arg10[%dma_start3A_185, %dma_start3A_186] : memref<128x128xf32, #tpu.memory_space<vmem>> -> memref<64x128xf32, #tpu.memory_space<vmem>>
    %dma_start3A_188 = arith.constant 256 : i32
    %dma_start3A_189 = tpu.memref_slice %arg6[%dma_start3A_188] : memref<25600xi32, #tpu.memory_space<vmem>> -> memref<64xi32, #tpu.memory_space<vmem>>
    %dma_start3A_190 = arith.constant 0 : i32
    %dma_start3A_191 = arith.constant 0 : i32
    %dma_start3A_192 = tpu.memref_slice %arg3[%dma_start3A_190, %dma_start3A_191] : memref<100000x128xf32, #tpu.memory_space<hbm>> -> memref<100000x128xf32, #tpu.memory_space<hbm>>
    tpu.enqueue_indirect_dma source(%dma_start3A_192 : memref<100000x128xf32, #tpu.memory_space<hbm>>) target(%dma_start3A_187 : memref<64x128xf32, #tpu.memory_space<vmem>>) offsets(%dma_start3A_189 : memref<64xi32, #tpu.memory_space<vmem>>) semaphore(%arg16 : memref<!tpu.dma_semaphore, #tpu.memory_space<semaphore_mem>>)
    %dma_start3A_193 = arith.constant 64 : i32
    %dma_start3A_194 = arith.constant 0 : i32
    %dma_start3A_195 = tpu.memref_slice %arg10[%dma_start3A_193, %dma_start3A_194] : memref<128x128xf32, #tpu.memory_space<vmem>> -> memref<64x128xf32, #tpu.memory_space<vmem>>
    %dma_start3A_196 = arith.constant 320 : i32
    %dma_start3A_197 = tpu.memref_slice %arg6[%dma_start3A_196] : memref<25600xi32, #tpu.memory_space<vmem>> -> memref<64xi32, #tpu.memory_space<vmem>>
    %dma_start3A_198 = arith.constant 0 : i32
    %dma_start3A_199 = arith.constant 0 : i32
    %dma_start3A_200 = tpu.memref_slice %arg3[%dma_start3A_198, %dma_start3A_199] : memref<100000x128xf32, #tpu.memory_space<hbm>> -> memref<100000x128xf32, #tpu.memory_space<hbm>>
    tpu.enqueue_indirect_dma source(%dma_start3A_200 : memref<100000x128xf32, #tpu.memory_space<hbm>>) target(%dma_start3A_195 : memref<64x128xf32, #tpu.memory_space<vmem>>) offsets(%dma_start3A_197 : memref<64xi32, #tpu.memory_space<vmem>>) semaphore(%arg16 : memref<!tpu.dma_semaphore, #tpu.memory_space<semaphore_mem>>)
    %dma_wait3A_201 = arith.constant 128 : i32
    %dma_wait3A_202 = tpu.memref_slice %arg6[%dma_wait3A_201] : memref<25600xi32, #tpu.memory_space<vmem>> -> memref<128xi32, #tpu.memory_space<vmem>>
    %dma_wait3A_203 = arith.constant 0 : i32
    %dma_wait3A_204 = arith.constant 0 : i32
    %dma_wait3A_205 = tpu.memref_slice %arg3[%dma_wait3A_203, %dma_wait3A_204] : memref<100000x128xf32, #tpu.memory_space<hbm>> -> memref<100000x128xf32, #tpu.memory_space<hbm>>
    tpu.wait_indirect_dma semaphore(%arg15 : memref<!tpu.dma_semaphore, #tpu.memory_space<semaphore_mem>>) src(%dma_wait3A_205 : memref<100000x128xf32, #tpu.memory_space<hbm>>) dst(%arg9 : memref<128x128xf32, #tpu.memory_space<vmem>>)
    %add3A_206 = arith.constant 1 : i32
    %add3A_207 = arith.addi %mul3A_6, %add3A_206 : i32
    %iota3A_208 = tpu.iota {dimensions = array<i32: 0>} : vector<16xi32>
    %add3A_209 = arith.constant 0 : i32
    %add3A_210 = vector.broadcast %add3A_209 : i32 to vector<16xi32>
    %add3A_211 = arith.addi %iota3A_208, %add3A_210 : vector<16xi32>
    %mul3A_212 = arith.constant 200 : i32
    %mul3A_213 = vector.broadcast %mul3A_212 : i32 to vector<16xi32>
    %mul3A_214 = arith.muli %add3A_211, %mul3A_213 : vector<16xi32>
    %add3A_215 = vector.broadcast %add3A_207 : i32 to vector<16xi32>
    %add3A_216 = arith.addi %mul3A_214, %add3A_215 : vector<16xi32>
    %swap3A_217 = arith.constant 0 : index
    %swap3A_218 = tpu.vector_load %arg12[%swap3A_217] {strides = array<i32>} : memref<128xi32, #tpu.memory_space<vmem>>, vector<16xi32>,
    %swap3A_219 = vector.shape_cast %swap3A_218 : vector<16xi32> to vector<16xi32>
    %swap3A_220 = vector.shape_cast %add3A_216 : vector<16xi32> to vector<16xi32>
    tpu.vector_store %arg12[%swap3A_217], %swap3A_220 {strides = array<i32>} : memref<128xi32, #tpu.memory_space<vmem>>, vector<16xi32>,
    %iota3A_221 = tpu.iota {dimensions = array<i32: 0>} : vector<16xi32>
    %add3A_222 = arith.constant 16 : i32
    %add3A_223 = vector.broadcast %add3A_222 : i32 to vector<16xi32>
    %add3A_224 = arith.addi %iota3A_221, %add3A_223 : vector<16xi32>
    %mul3A_225 = arith.constant 200 : i32
    %mul3A_226 = vector.broadcast %mul3A_225 : i32 to vector<16xi32>
    %mul3A_227 = arith.muli %add3A_224, %mul3A_226 : vector<16xi32>
    %add3A_228 = vector.broadcast %add3A_207 : i32 to vector<16xi32>
    %add3A_229 = arith.addi %mul3A_227, %add3A_228 : vector<16xi32>
    %swap3A_230 = arith.constant 16 : index
    %swap3A_231 = tpu.vector_load %arg12[%swap3A_230] {strides = array<i32>} : memref<128xi32, #tpu.memory_space<vmem>>, vector<16xi32>,
    %swap3A_232 = vector.shape_cast %swap3A_231 : vector<16xi32> to vector<16xi32>
    %swap3A_233 = vector.shape_cast %add3A_229 : vector<16xi32> to vector<16xi32>
    tpu.vector_store %arg12[%swap3A_230], %swap3A_233 {strides = array<i32>} : memref<128xi32, #tpu.memory_space<vmem>>, vector<16xi32>,
    %iota3A_234 = tpu.iota {dimensions = array<i32: 0>} : vector<16xi32>
    %add3A_235 = arith.constant 32 : i32
    %add3A_236 = vector.broadcast %add3A_235 : i32 to vector<16xi32>
    %add3A_237 = arith.addi %iota3A_234, %add3A_236 : vector<16xi32>
    %mul3A_238 = arith.constant 200 : i32
    %mul3A_239 = vector.broadcast %mul3A_238 : i32 to vector<16xi32>
    %mul3A_240 = arith.muli %add3A_237, %mul3A_239 : vector<16xi32>
    %add3A_241 = vector.broadcast %add3A_207 : i32 to vector<16xi32>
    %add3A_242 = arith.addi %mul3A_240, %add3A_241 : vector<16xi32>
    %swap3A_243 = arith.constant 32 : index
    %swap3A_244 = tpu.vector_load %arg12[%swap3A_243] {strides = array<i32>} : memref<128xi32, #tpu.memory_space<vmem>>, vector<16xi32>,
    %swap3A_245 = vector.shape_cast %swap3A_244 : vector<16xi32> to vector<16xi32>
    %swap3A_246 = vector.shape_cast %add3A_242 : vector<16xi32> to vector<16xi32>
    tpu.vector_store %arg12[%swap3A_243], %swap3A_246 {strides = array<i32>} : memref<128xi32, #tpu.memory_space<vmem>>, vector<16xi32>,
    %iota3A_247 = tpu.iota {dimensions = array<i32: 0>} : vector<16xi32>
    %add3A_248 = arith.constant 48 : i32
    %add3A_249 = vector.broadcast %add3A_248 : i32 to vector<16xi32>
    %add3A_250 = arith.addi %iota3A_247, %add3A_249 : vector<16xi32>
    %mul3A_251 = arith.constant 200 : i32
    %mul3A_252 = vector.broadcast %mul3A_251 : i32 to vector<16xi32>
    %mul3A_253 = arith.muli %add3A_250, %mul3A_252 : vector<16xi32>
    %add3A_254 = vector.broadcast %add3A_207 : i32 to vector<16xi32>
    %add3A_255 = arith.addi %mul3A_253, %add3A_254 : vector<16xi32>
    %swap3A_256 = arith.constant 48 : index
    %swap3A_257 = tpu.vector_load %arg12[%swap3A_256] {strides = array<i32>} : memref<128xi32, #tpu.memory_space<vmem>>, vector<16xi32>,
    %swap3A_258 = vector.shape_cast %swap3A_257 : vector<16xi32> to vector<16xi32>
    %swap3A_259 = vector.shape_cast %add3A_255 : vector<16xi32> to vector<16xi32>
    tpu.vector_store %arg12[%swap3A_256], %swap3A_259 {strides = array<i32>} : memref<128xi32, #tpu.memory_space<vmem>>, vector<16xi32>,
    %iota3A_260 = tpu.iota {dimensions = array<i32: 0>} : vector<16xi32>
    %add3A_261 = arith.constant 64 : i32
    %add3A_262 = vector.broadcast %add3A_261 : i32 to vector<16xi32>
    %add3A_263 = arith.addi %iota3A_260, %add3A_262 : vector<16xi32>
    %mul3A_264 = arith.constant 200 : i32
    %mul3A_265 = vector.broadcast %mul3A_264 : i32 to vector<16xi32>
    %mul3A_266 = arith.muli %add3A_263, %mul3A_265 : vector<16xi32>
    %add3A_267 = vector.broadcast %add3A_207 : i32 to vector<16xi32>
    %add3A_268 = arith.addi %mul3A_266, %add3A_267 : vector<16xi32>
    %swap3A_269 = arith.constant 64 : index
    %swap3A_270 = tpu.vector_load %arg12[%swap3A_269] {strides = array<i32>} : memref<128xi32, #tpu.memory_space<vmem>>, vector<16xi32>,
    %swap3A_271 = vector.shape_cast %swap3A_270 : vector<16xi32> to vector<16xi32>
    %swap3A_272 = vector.shape_cast %add3A_268 : vector<16xi32> to vector<16xi32>
    tpu.vector_store %arg12[%swap3A_269], %swap3A_272 {strides = array<i32>} : memref<128xi32, #tpu.memory_space<vmem>>, vector<16xi32>,
    %iota3A_273 = tpu.iota {dimensions = array<i32: 0>} : vector<16xi32>
    %add3A_274 = arith.constant 80 : i32
    %add3A_275 = vector.broadcast %add3A_274 : i32 to vector<16xi32>
    %add3A_276 = arith.addi %iota3A_273, %add3A_275 : vector<16xi32>
    %mul3A_277 = arith.constant 200 : i32
    %mul3A_278 = vector.broadcast %mul3A_277 : i32 to vector<16xi32>
    %mul3A_279 = arith.muli %add3A_276, %mul3A_278 : vector<16xi32>
    %add3A_280 = vector.broadcast %add3A_207 : i32 to vector<16xi32>
    %add3A_281 = arith.addi %mul3A_279, %add3A_280 : vector<16xi32>
    %swap3A_282 = arith.constant 80 : index
    %swap3A_283 = tpu.vector_load %arg12[%swap3A_282] {strides = array<i32>} : memref<128xi32, #tpu.memory_space<vmem>>, vector<16xi32>,
    %swap3A_284 = vector.shape_cast %swap3A_283 : vector<16xi32> to vector<16xi32>
    %swap3A_285 = vector.shape_cast %add3A_281 : vector<16xi32> to vector<16xi32>
    tpu.vector_store %arg12[%swap3A_282], %swap3A_285 {strides = array<i32>} : memref<128xi32, #tpu.memory_space<vmem>>, vector<16xi32>,
    %iota3A_286 = tpu.iota {dimensions = array<i32: 0>} : vector<16xi32>
    %add3A_287 = arith.constant 96 : i32
    %add3A_288 = vector.broadcast %add3A_287 : i32 to vector<16xi32>
    %add3A_289 = arith.addi %iota3A_286, %add3A_288 : vector<16xi32>
    %mul3A_290 = arith.constant 200 : i32
    %mul3A_291 = vector.broadcast %mul3A_290 : i32 to vector<16xi32>
    %mul3A_292 = arith.muli %add3A_289, %mul3A_291 : vector<16xi32>
    %add3A_293 = vector.broadcast %add3A_207 : i32 to vector<16xi32>
    %add3A_294 = arith.addi %mul3A_292, %add3A_293 : vector<16xi32>
    %swap3A_295 = arith.constant 96 : index
    %swap3A_296 = tpu.vector_load %arg12[%swap3A_295] {strides = array<i32>} : memref<128xi32, #tpu.memory_space<vmem>>, vector<16xi32>,
    %swap3A_297 = vector.shape_cast %swap3A_296 : vector<16xi32> to vector<16xi32>
    %swap3A_298 = vector.shape_cast %add3A_294 : vector<16xi32> to vector<16xi32>
    tpu.vector_store %arg12[%swap3A_295], %swap3A_298 {strides = array<i32>} : memref<128xi32, #tpu.memory_space<vmem>>, vector<16xi32>,
    %iota3A_299 = tpu.iota {dimensions = array<i32: 0>} : vector<16xi32>
    %add3A_300 = arith.constant 112 : i32
    %add3A_301 = vector.broadcast %add3A_300 : i32 to vector<16xi32>
    %add3A_302 = arith.addi %iota3A_299, %add3A_301 : vector<16xi32>
    %mul3A_303 = arith.constant 200 : i32
    %mul3A_304 = vector.broadcast %mul3A_303 : i32 to vector<16xi32>
    %mul3A_305 = arith.muli %add3A_302, %mul3A_304 : vector<16xi32>
    %add3A_306 = vector.broadcast %add3A_207 : i32 to vector<16xi32>
    %add3A_307 = arith.addi %mul3A_305, %add3A_306 : vector<16xi32>
    %swap3A_308 = arith.constant 112 : index
    %swap3A_309 = tpu.vector_load %arg12[%swap3A_308] {strides = array<i32>} : memref<128xi32, #tpu.memory_space<vmem>>, vector<16xi32>,
    %swap3A_310 = vector.shape_cast %swap3A_309 : vector<16xi32> to vector<16xi32>
    %swap3A_311 = vector.shape_cast %add3A_307 : vector<16xi32> to vector<16xi32>
    tpu.vector_store %arg12[%swap3A_308], %swap3A_311 {strides = array<i32>} : memref<128xi32, #tpu.memory_space<vmem>>, vector<16xi32>,
    %get3A_312 = arith.constant 1 : i32
    %get3A_313 = arith.index_cast %get3A_312 : i32 to index
    %get3A_314 = arith.constant 0 : index
    %get3A_315 = tpu.vector_load %arg7[%get3A_313, %get3A_314] {strides = array<i32>} : memref<200x128xf32, #tpu.memory_space<vmem>>, vector<1x16xf32>,
    %get3A_316 = vector.shape_cast %get3A_315 : vector<1x16xf32> to vector<16xf32>
    %get3A_317 = arith.constant 1 : i32
    %get3A_318 = arith.index_cast %get3A_317 : i32 to index
    %get3A_319 = arith.constant 16 : index
    %get3A_320 = tpu.vector_load %arg7[%get3A_318, %get3A_319] {strides = array<i32>} : memref<200x128xf32, #tpu.memory_space<vmem>>, vector<1x16xf32>,
    %get3A_321 = vector.shape_cast %get3A_320 : vector<1x16xf32> to vector<16xf32>
    %get3A_322 = arith.constant 1 : i32
    %get3A_323 = arith.index_cast %get3A_322 : i32 to index
    %get3A_324 = arith.constant 32 : index
    %get3A_325 = tpu.vector_load %arg7[%get3A_323, %get3A_324] {strides = array<i32>} : memref<200x128xf32, #tpu.memory_space<vmem>>, vector<1x16xf32>,
    %get3A_326 = vector.shape_cast %get3A_325 : vector<1x16xf32> to vector<16xf32>
    %get3A_327 = arith.constant 1 : i32
    %get3A_328 = arith.index_cast %get3A_327 : i32 to index
    %get3A_329 = arith.constant 48 : index
    %get3A_330 = tpu.vector_load %arg7[%get3A_328, %get3A_329] {strides = array<i32>} : memref<200x128xf32, #tpu.memory_space<vmem>>, vector<1x16xf32>,
    %get3A_331 = vector.shape_cast %get3A_330 : vector<1x16xf32> to vector<16xf32>
    %get3A_332 = arith.constant 1 : i32
    %get3A_333 = arith.index_cast %get3A_332 : i32 to index
    %get3A_334 = arith.constant 64 : index
    %get3A_335 = tpu.vector_load %arg7[%get3A_333, %get3A_334] {strides = array<i32>} : memref<200x128xf32, #tpu.memory_space<vmem>>, vector<1x16xf32>,
    %get3A_336 = vector.shape_cast %get3A_335 : vector<1x16xf32> to vector<16xf32>
    %get3A_337 = arith.constant 1 : i32
    %get3A_338 = arith.index_cast %get3A_337 : i32 to index
    %get3A_339 = arith.constant 80 : index
    %get3A_340 = tpu.vector_load %arg7[%get3A_338, %get3A_339] {strides = array<i32>} : memref<200x128xf32, #tpu.memory_space<vmem>>, vector<1x16xf32>,
    %get3A_341 = vector.shape_cast %get3A_340 : vector<1x16xf32> to vector<16xf32>
    %get3A_342 = arith.constant 1 : i32
    %get3A_343 = arith.index_cast %get3A_342 : i32 to index
    %get3A_344 = arith.constant 96 : index
    %get3A_345 = tpu.vector_load %arg7[%get3A_343, %get3A_344] {strides = array<i32>} : memref<200x128xf32, #tpu.memory_space<vmem>>, vector<1x16xf32>,
    %get3A_346 = vector.shape_cast %get3A_345 : vector<1x16xf32> to vector<16xf32>
    %get3A_347 = arith.constant 1 : i32
    %get3A_348 = arith.index_cast %get3A_347 : i32 to index
    %get3A_349 = arith.constant 112 : index
    %get3A_350 = tpu.vector_load %arg7[%get3A_348, %get3A_349] {strides = array<i32>} : memref<200x128xf32, #tpu.memory_space<vmem>>, vector<1x16xf32>,
    %get3A_351 = vector.shape_cast %get3A_350 : vector<1x16xf32> to vector<16xf32>
    %dma_start3A_352 = arith.constant 0 : i32
    %dma_start3A_353 = arith.constant 0 : i32
    %dma_start3A_354 = tpu.memref_slice %arg8[%dma_start3A_352, %dma_start3A_353] : memref<128x128xf32, #tpu.memory_space<vmem>> -> memref<64x128xf32, #tpu.memory_space<vmem>>
    %dma_start3A_355 = arith.constant 384 : i32
    %dma_start3A_356 = tpu.memref_slice %arg6[%dma_start3A_355] : memref<25600xi32, #tpu.memory_space<vmem>> -> memref<64xi32, #tpu.memory_space<vmem>>
    %dma_start3A_357 = arith.constant 0 : i32
    %dma_start3A_358 = arith.constant 0 : i32
    %dma_start3A_359 = tpu.memref_slice %arg3[%dma_start3A_357, %dma_start3A_358] : memref<100000x128xf32, #tpu.memory_space<hbm>> -> memref<100000x128xf32, #tpu.memory_space<hbm>>
    tpu.enqueue_indirect_dma source(%dma_start3A_359 : memref<100000x128xf32, #tpu.memory_space<hbm>>) target(%dma_start3A_354 : memref<64x128xf32, #tpu.memory_space<vmem>>) offsets(%dma_start3A_356 : memref<64xi32, #tpu.memory_space<vmem>>) semaphore(%arg14 : memref<!tpu.dma_semaphore, #tpu.memory_space<semaphore_mem>>)
    %dma_start3A_360 = arith.constant 64 : i32
    %dma_start3A_361 = arith.constant 0 : i32
    %dma_start3A_362 = tpu.memref_slice %arg8[%dma_start3A_360, %dma_start3A_361] : memref<128x128xf32, #tpu.memory_space<vmem>> -> memref<64x128xf32, #tpu.memory_space<vmem>>
    %dma_start3A_363 = arith.constant 448 : i32
    %dma_start3A_364 = tpu.memref_slice %arg6[%dma_start3A_363] : memref<25600xi32, #tpu.memory_space<vmem>> -> memref<64xi32, #tpu.memory_space<vmem>>
    %dma_start3A_365 = arith.constant 0 : i32
    %dma_start3A_366 = arith.constant 0 : i32
    %dma_start3A_367 = tpu.memref_slice %arg3[%dma_start3A_365, %dma_start3A_366] : memref<100000x128xf32, #tpu.memory_space<hbm>> -> memref<100000x128xf32, #tpu.memory_space<hbm>>
    tpu.enqueue_indirect_dma source(%dma_start3A_367 : memref<100000x128xf32, #tpu.memory_space<hbm>>) target(%dma_start3A_362 : memref<64x128xf32, #tpu.memory_space<vmem>>) offsets(%dma_start3A_364 : memref<64xi32, #tpu.memory_space<vmem>>) semaphore(%arg14 : memref<!tpu.dma_semaphore, #tpu.memory_space<semaphore_mem>>)
    %dma_wait3A_368 = arith.constant 256 : i32
    %dma_wait3A_369 = tpu.memref_slice %arg6[%dma_wait3A_368] : memref<25600xi32, #tpu.memory_space<vmem>> -> memref<128xi32, #tpu.memory_space<vmem>>
    %dma_wait3A_370 = arith.constant 0 : i32
    %dma_wait3A_371 = arith.constant 0 : i32
    %dma_wait3A_372 = tpu.memref_slice %arg3[%dma_wait3A_370, %dma_wait3A_371] : memref<100000x128xf32, #tpu.memory_space<hbm>> -> memref<100000x128xf32, #tpu.memory_space<hbm>>
    tpu.wait_indirect_dma semaphore(%arg16 : memref<!tpu.dma_semaphore, #tpu.memory_space<semaphore_mem>>) src(%dma_wait3A_372 : memref<100000x128xf32, #tpu.memory_space<hbm>>) dst(%arg10 : memref<128x128xf32, #tpu.memory_space<vmem>>)
    %add3A_373 = arith.constant 2 : i32
    %add3A_374 = arith.addi %mul3A_6, %add3A_373 : i32
    %iota3A_375 = tpu.iota {dimensions = array<i32: 0>} : vector<16xi32>
    %add3A_376 = arith.constant 0 : i32
    %add3A_377 = vector.broadcast %add3A_376 : i32 to vector<16xi32>
    %add3A_378 = arith.addi %iota3A_375, %add3A_377 : vector<16xi32>
    %mul3A_379 = arith.constant 200 : i32
    %mul3A_380 = vector.broadcast %mul3A_379 : i32 to vector<16xi32>
    %mul3A_381 = arith.muli %add3A_378, %mul3A_380 : vector<16xi32>
    %add3A_382 = vector.broadcast %add3A_374 : i32 to vector<16xi32>
    %add3A_383 = arith.addi %mul3A_381, %add3A_382 : vector<16xi32>
    %swap3A_384 = arith.constant 0 : index
    %swap3A_385 = tpu.vector_load %arg13[%swap3A_384] {strides = array<i32>} : memref<128xi32, #tpu.memory_space<vmem>>, vector<16xi32>,
    %swap3A_386 = vector.shape_cast %swap3A_385 : vector<16xi32> to vector<16xi32>
    %swap3A_387 = vector.shape_cast %add3A_383 : vector<16xi32> to vector<16xi32>
    tpu.vector_store %arg13[%swap3A_384], %swap3A_387 {strides = array<i32>} : memref<128xi32, #tpu.memory_space<vmem>>, vector<16xi32>,
    %iota3A_388 = tpu.iota {dimensions = array<i32: 0>} : vector<16xi32>
    %add3A_389 = arith.constant 16 : i32
    %add3A_390 = vector.broadcast %add3A_389 : i32 to vector<16xi32>
    %add3A_391 = arith.addi %iota3A_388, %add3A_390 : vector<16xi32>
    %mul3A_392 = arith.constant 200 : i32
    %mul3A_393 = vector.broadcast %mul3A_392 : i32 to vector<16xi32>
    %mul3A_394 = arith.muli %add3A_391, %mul3A_393 : vector<16xi32>
    %add3A_395 = vector.broadcast %add3A_374 : i32 to vector<16xi32>
    %add3A_396 = arith.addi %mul3A_394, %add3A_395 : vector<16xi32>
    %swap3A_397 = arith.constant 16 : index
    %swap3A_398 = tpu.vector_load %arg13[%swap3A_397] {strides = array<i32>} : memref<128xi32, #tpu.memory_space<vmem>>, vector<16xi32>,
    %swap3A_399 = vector.shape_cast %swap3A_398 : vector<16xi32> to vector<16xi32>
    %swap3A_400 = vector.shape_cast %add3A_396 : vector<16xi32> to vector<16xi32>
    tpu.vector_store %arg13[%swap3A_397], %swap3A_400 {strides = array<i32>} : memref<128xi32, #tpu.memory_space<vmem>>, vector<16xi32>,
    %iota3A_401 = tpu.iota {dimensions = array<i32: 0>} : vector<16xi32>
    %add3A_402 = arith.constant 32 : i32
    %add3A_403 = vector.broadcast %add3A_402 : i32 to vector<16xi32>
    %add3A_404 = arith.addi %iota3A_401, %add3A_403 : vector<16xi32>
    %mul3A_405 = arith.constant 200 : i32
    %mul3A_406 = vector.broadcast %mul3A_405 : i32 to vector<16xi32>
    %mul3A_407 = arith.muli %add3A_404, %mul3A_406 : vector<16xi32>
    %add3A_408 = vector.broadcast %add3A_374 : i32 to vector<16xi32>
    %add3A_409 = arith.addi %mul3A_407, %add3A_408 : vector<16xi32>
    %swap3A_410 = arith.constant 32 : index
    %swap3A_411 = tpu.vector_load %arg13[%swap3A_410] {strides = array<i32>} : memref<128xi32, #tpu.memory_space<vmem>>, vector<16xi32>,
    %swap3A_412 = vector.shape_cast %swap3A_411 : vector<16xi32> to vector<16xi32>
    %swap3A_413 = vector.shape_cast %add3A_409 : vector<16xi32> to vector<16xi32>
    tpu.vector_store %arg13[%swap3A_410], %swap3A_413 {strides = array<i32>} : memref<128xi32, #tpu.memory_space<vmem>>, vector<16xi32>,
    %iota3A_414 = tpu.iota {dimensions = array<i32: 0>} : vector<16xi32>
    %add3A_415 = arith.constant 48 : i32
    %add3A_416 = vector.broadcast %add3A_415 : i32 to vector<16xi32>
    %add3A_417 = arith.addi %iota3A_414, %add3A_416 : vector<16xi32>
    %mul3A_418 = arith.constant 200 : i32
    %mul3A_419 = vector.broadcast %mul3A_418 : i32 to vector<16xi32>
    %mul3A_420 = arith.muli %add3A_417, %mul3A_419 : vector<16xi32>
    %add3A_421 = vector.broadcast %add3A_374 : i32 to vector<16xi32>
    %add3A_422 = arith.addi %mul3A_420, %add3A_421 : vector<16xi32>
    %swap3A_423 = arith.constant 48 : index
    %swap3A_424 = tpu.vector_load %arg13[%swap3A_423] {strides = array<i32>} : memref<128xi32, #tpu.memory_space<vmem>>, vector<16xi32>,
    %swap3A_425 = vector.shape_cast %swap3A_424 : vector<16xi32> to vector<16xi32>
    %swap3A_426 = vector.shape_cast %add3A_422 : vector<16xi32> to vector<16xi32>
    tpu.vector_store %arg13[%swap3A_423], %swap3A_426 {strides = array<i32>} : memref<128xi32, #tpu.memory_space<vmem>>, vector<16xi32>,
    %iota3A_427 = tpu.iota {dimensions = array<i32: 0>} : vector<16xi32>
    %add3A_428 = arith.constant 64 : i32
    %add3A_429 = vector.broadcast %add3A_428 : i32 to vector<16xi32>
    %add3A_430 = arith.addi %iota3A_427, %add3A_429 : vector<16xi32>
    %mul3A_431 = arith.constant 200 : i32
    %mul3A_432 = vector.broadcast %mul3A_431 : i32 to vector<16xi32>
    %mul3A_433 = arith.muli %add3A_430, %mul3A_432 : vector<16xi32>
    %add3A_434 = vector.broadcast %add3A_374 : i32 to vector<16xi32>
    %add3A_435 = arith.addi %mul3A_433, %add3A_434 : vector<16xi32>
    %swap3A_436 = arith.constant 64 : index
    %swap3A_437 = tpu.vector_load %arg13[%swap3A_436] {strides = array<i32>} : memref<128xi32, #tpu.memory_space<vmem>>, vector<16xi32>,
    %swap3A_438 = vector.shape_cast %swap3A_437 : vector<16xi32> to vector<16xi32>
    %swap3A_439 = vector.shape_cast %add3A_435 : vector<16xi32> to vector<16xi32>
    tpu.vector_store %arg13[%swap3A_436], %swap3A_439 {strides = array<i32>} : memref<128xi32, #tpu.memory_space<vmem>>, vector<16xi32>,
    %iota3A_440 = tpu.iota {dimensions = array<i32: 0>} : vector<16xi32>
    %add3A_441 = arith.constant 80 : i32
    %add3A_442 = vector.broadcast %add3A_441 : i32 to vector<16xi32>
    %add3A_443 = arith.addi %iota3A_440, %add3A_442 : vector<16xi32>
    %mul3A_444 = arith.constant 200 : i32
    %mul3A_445 = vector.broadcast %mul3A_444 : i32 to vector<16xi32>
    %mul3A_446 = arith.muli %add3A_443, %mul3A_445 : vector<16xi32>
    %add3A_447 = vector.broadcast %add3A_374 : i32 to vector<16xi32>
    %add3A_448 = arith.addi %mul3A_446, %add3A_447 : vector<16xi32>
    %swap3A_449 = arith.constant 80 : index
    %swap3A_450 = tpu.vector_load %arg13[%swap3A_449] {strides = array<i32>} : memref<128xi32, #tpu.memory_space<vmem>>, vector<16xi32>,
    %swap3A_451 = vector.shape_cast %swap3A_450 : vector<16xi32> to vector<16xi32>
    %swap3A_452 = vector.shape_cast %add3A_448 : vector<16xi32> to vector<16xi32>
    tpu.vector_store %arg13[%swap3A_449], %swap3A_452 {strides = array<i32>} : memref<128xi32, #tpu.memory_space<vmem>>, vector<16xi32>,
    %iota3A_453 = tpu.iota {dimensions = array<i32: 0>} : vector<16xi32>
    %add3A_454 = arith.constant 96 : i32
    %add3A_455 = vector.broadcast %add3A_454 : i32 to vector<16xi32>
    %add3A_456 = arith.addi %iota3A_453, %add3A_455 : vector<16xi32>
    %mul3A_457 = arith.constant 200 : i32
    %mul3A_458 = vector.broadcast %mul3A_457 : i32 to vector<16xi32>
    %mul3A_459 = arith.muli %add3A_456, %mul3A_458 : vector<16xi32>
    %add3A_460 = vector.broadcast %add3A_374 : i32 to vector<16xi32>
    %add3A_461 = arith.addi %mul3A_459, %add3A_460 : vector<16xi32>
    %swap3A_462 = arith.constant 96 : index
    %swap3A_463 = tpu.vector_load %arg13[%swap3A_462] {strides = array<i32>} : memref<128xi32, #tpu.memory_space<vmem>>, vector<16xi32>,
    %swap3A_464 = vector.shape_cast %swap3A_463 : vector<16xi32> to vector<16xi32>
    %swap3A_465 = vector.shape_cast %add3A_461 : vector<16xi32> to vector<16xi32>
    tpu.vector_store %arg13[%swap3A_462], %swap3A_465 {strides = array<i32>} : memref<128xi32, #tpu.memory_space<vmem>>, vector<16xi32>,
    %iota3A_466 = tpu.iota {dimensions = array<i32: 0>} : vector<16xi32>
    %add3A_467 = arith.constant 112 : i32
    %add3A_468 = vector.broadcast %add3A_467 : i32 to vector<16xi32>
    %add3A_469 = arith.addi %iota3A_466, %add3A_468 : vector<16xi32>
    %mul3A_470 = arith.constant 200 : i32
    %mul3A_471 = vector.broadcast %mul3A_470 : i32 to vector<16xi32>
    %mul3A_472 = arith.muli %add3A_469, %mul3A_471 : vector<16xi32>
    %add3A_473 = vector.broadcast %add3A_374 : i32 to vector<16xi32>
    %add3A_474 = arith.addi %mul3A_472, %add3A_473 : vector<16xi32>
    %swap3A_475 = arith.constant 112 : index
    %swap3A_476 = tpu.vector_load %arg13[%swap3A_475] {strides = array<i32>} : memref<128xi32, #tpu.memory_space<vmem>>, vector<16xi32>,
    %swap3A_477 = vector.shape_cast %swap3A_476 : vector<16xi32> to vector<16xi32>
    %swap3A_478 = vector.shape_cast %add3A_474 : vector<16xi32> to vector<16xi32>
    tpu.vector_store %arg13[%swap3A_475], %swap3A_478 {strides = array<i32>} : memref<128xi32, #tpu.memory_space<vmem>>, vector<16xi32>,
    %get3A_479 = arith.constant 2 : i32
    %get3A_480 = arith.index_cast %get3A_479 : i32 to index
    %get3A_481 = arith.constant 0 : index
    %get3A_482 = tpu.vector_load %arg7[%get3A_480, %get3A_481] {strides = array<i32>} : memref<200x128xf32, #tpu.memory_space<vmem>>, vector<1x16xf32>,
    %get3A_483 = vector.shape_cast %get3A_482 : vector<1x16xf32> to vector<16xf32>
    %get3A_484 = arith.constant 2 : i32
    %get3A_485 = arith.index_cast %get3A_484 : i32 to index
    %get3A_486 = arith.constant 16 : index
    %get3A_487 = tpu.vector_load %arg7[%get3A_485, %get3A_486] {strides = array<i32>} : memref<200x128xf32, #tpu.memory_space<vmem>>, vector<1x16xf32>,
    %get3A_488 = vector.shape_cast %get3A_487 : vector<1x16xf32> to vector<16xf32>
    %get3A_489 = arith.constant 2 : i32
    %get3A_490 = arith.index_cast %get3A_489 : i32 to index
    %get3A_491 = arith.constant 32 : index
    %get3A_492 = tpu.vector_load %arg7[%get3A_490, %get3A_491] {strides = array<i32>} : memref<200x128xf32, #tpu.memory_space<vmem>>, vector<1x16xf32>,
    %get3A_493 = vector.shape_cast %get3A_492 : vector<1x16xf32> to vector<16xf32>
    %get3A_494 = arith.constant 2 : i32
    %get3A_495 = arith.index_cast %get3A_494 : i32 to index
    %get3A_496 = arith.constant 48 : index
    %get3A_497 = tpu.vector_load %arg7[%get3A_495, %get3A_496] {strides = array<i32>} : memref<200x128xf32, #tpu.memory_space<vmem>>, vector<1x16xf32>,
    %get3A_498 = vector.shape_cast %get3A_497 : vector<1x16xf32> to vector<16xf32>
    %get3A_499 = arith.constant 2 : i32
    %get3A_500 = arith.index_cast %get3A_499 : i32 to index
    %get3A_501 = arith.constant 64 : index
    %get3A_502 = tpu.vector_load %arg7[%get3A_500, %get3A_501] {strides = array<i32>} : memref<200x128xf32, #tpu.memory_space<vmem>>, vector<1x16xf32>,
    %get3A_503 = vector.shape_cast %get3A_502 : vector<1x16xf32> to vector<16xf32>
    %get3A_504 = arith.constant 2 : i32
    %get3A_505 = arith.index_cast %get3A_504 : i32 to index
    %get3A_506 = arith.constant 80 : index
    %get3A_507 = tpu.vector_load %arg7[%get3A_505, %get3A_506] {strides = array<i32>} : memref<200x128xf32, #tpu.memory_space<vmem>>, vector<1x16xf32>,
    %get3A_508 = vector.shape_cast %get3A_507 : vector<1x16xf32> to vector<16xf32>
    %get3A_509 = arith.constant 2 : i32
    %get3A_510 = arith.index_cast %get3A_509 : i32 to index
    %get3A_511 = arith.constant 96 : index
    %get3A_512 = tpu.vector_load %arg7[%get3A_510, %get3A_511] {strides = array<i32>} : memref<200x128xf32, #tpu.memory_space<vmem>>, vector<1x16xf32>,
    %get3A_513 = vector.shape_cast %get3A_512 : vector<1x16xf32> to vector<16xf32>
    %get3A_514 = arith.constant 2 : i32
    %get3A_515 = arith.index_cast %get3A_514 : i32 to index
    %get3A_516 = arith.constant 112 : index
    %get3A_517 = tpu.vector_load %arg7[%get3A_515, %get3A_516] {strides = array<i32>} : memref<200x128xf32, #tpu.memory_space<vmem>>, vector<1x16xf32>,
    %get3A_518 = vector.shape_cast %get3A_517 : vector<1x16xf32> to vector<16xf32>
    %dma_start3A_519 = arith.constant 0 : i32
    %dma_start3A_520 = arith.constant 0 : i32
    %dma_start3A_521 = tpu.memref_slice %arg9[%dma_start3A_519, %dma_start3A_520] : memref<128x128xf32, #tpu.memory_space<vmem>> -> memref<64x128xf32, #tpu.memory_space<vmem>>
    %dma_start3A_522 = arith.constant 512 : i32
    %dma_start3A_523 = tpu.memref_slice %arg6[%dma_start3A_522] : memref<25600xi32, #tpu.memory_space<vmem>> -> memref<64xi32, #tpu.memory_space<vmem>>
    %dma_start3A_524 = arith.constant 0 : i32
    %dma_start3A_525 = arith.constant 0 : i32
    %dma_start3A_526 = tpu.memref_slice %arg3[%dma_start3A_524, %dma_start3A_525] : memref<100000x128xf32, #tpu.memory_space<hbm>> -> memref<100000x128xf32, #tpu.memory_space<hbm>>
    tpu.enqueue_indirect_dma source(%dma_start3A_526 : memref<100000x128xf32, #tpu.memory_space<hbm>>) target(%dma_start3A_521 : memref<64x128xf32, #tpu.memory_space<vmem>>) offsets(%dma_start3A_523 : memref<64xi32, #tpu.memory_space<vmem>>) semaphore(%arg15 : memref<!tpu.dma_semaphore, #tpu.memory_space<semaphore_mem>>)
    %dma_start3A_527 = arith.constant 64 : i32
    %dma_start3A_528 = arith.constant 0 : i32
    %dma_start3A_529 = tpu.memref_slice %arg9[%dma_start3A_527, %dma_start3A_528] : memref<128x128xf32, #tpu.memory_space<vmem>> -> memref<64x128xf32, #tpu.memory_space<vmem>>
    %dma_start3A_530 = arith.constant 576 : i32
    %dma_start3A_531 = tpu.memref_slice %arg6[%dma_start3A_530] : memref<25600xi32, #tpu.memory_space<vmem>> -> memref<64xi32, #tpu.memory_space<vmem>>
    %dma_start3A_532 = arith.constant 0 : i32
    %dma_start3A_533 = arith.constant 0 : i32
    %dma_start3A_534 = tpu.memref_slice %arg3[%dma_start3A_532, %dma_start3A_533] : memref<100000x128xf32, #tpu.memory_space<hbm>> -> memref<100000x128xf32, #tpu.memory_space<hbm>>
    tpu.enqueue_indirect_dma source(%dma_start3A_534 : memref<100000x128xf32, #tpu.memory_space<hbm>>) target(%dma_start3A_529 : memref<64x128xf32, #tpu.memory_space<vmem>>) offsets(%dma_start3A_531 : memref<64xi32, #tpu.memory_space<vmem>>) semaphore(%arg15 : memref<!tpu.dma_semaphore, #tpu.memory_space<semaphore_mem>>)
    %scan3A = arith.constant 0 : i32
    %scan3A_535 = arith.constant 1 : i32
    %scan3A_536 = arith.constant 65 : i32
    %scan3A_537 = arith.addi %scan3A_535, %scan3A_536 : i32
    %scan3A_538 = arith.constant 1 : i32
    scf.for %scan3A_842 = %scan3A_535 to %scan3A_537 step %scan3A_538  : i32 {
      %mul3A_843 = arith.constant 3 : i32
      %mul3A_844 = arith.muli %scan3A_842, %mul3A_843 : i32
      %add3A_845 = arith.constant 0 : i32
      %add3A_846 = arith.addi %mul3A_844, %add3A_845 : i32
      %mul3A_847 = arith.constant 128 : i32
      %mul3A_848 = arith.muli %add3A_846, %mul3A_847 : i32
      %dma_wait3A_849 = tpu.memref_slice %arg6[%mul3A_848] : memref<25600xi32, #tpu.memory_space<vmem>> -> memref<128xi32, #tpu.memory_space<vmem>>
      %dma_wait3A_850 = arith.constant 0 : i32
      %dma_wait3A_851 = arith.constant 0 : i32
      %dma_wait3A_852 = tpu.memref_slice %arg3[%dma_wait3A_850, %dma_wait3A_851] : memref<100000x128xf32, #tpu.memory_space<hbm>> -> memref<100000x128xf32, #tpu.memory_space<hbm>>
      tpu.wait_indirect_dma semaphore(%arg14 : memref<!tpu.dma_semaphore, #tpu.memory_space<semaphore_mem>>) src(%dma_wait3A_852 : memref<100000x128xf32, #tpu.memory_space<hbm>>) dst(%arg8 : memref<128x128xf32, #tpu.memory_space<vmem>>)
      %add3A_853 = arith.addi %mul3A_6, %add3A_846 : i32
      %iota3A_854 = tpu.iota {dimensions = array<i32: 0>} : vector<16xi32>
      %add3A_855 = arith.constant 0 : i32
      %add3A_856 = vector.broadcast %add3A_855 : i32 to vector<16xi32>
      %add3A_857 = arith.addi %iota3A_854, %add3A_856 : vector<16xi32>
      %mul3A_858 = arith.constant 200 : i32
      %mul3A_859 = vector.broadcast %mul3A_858 : i32 to vector<16xi32>
      %mul3A_860 = arith.muli %add3A_857, %mul3A_859 : vector<16xi32>
      %add3A_861 = vector.broadcast %add3A_853 : i32 to vector<16xi32>
      %add3A_862 = arith.addi %mul3A_860, %add3A_861 : vector<16xi32>
      %swap3A_863 = arith.constant 0 : index
      %swap3A_864 = tpu.vector_load %arg11[%swap3A_863] {strides = array<i32>} : memref<128xi32, #tpu.memory_space<vmem>>, vector<16xi32>,
      %swap3A_865 = vector.shape_cast %swap3A_864 : vector<16xi32> to vector<16xi32>
      %swap3A_866 = vector.shape_cast %add3A_862 : vector<16xi32> to vector<16xi32>
      tpu.vector_store %arg11[%swap3A_863], %swap3A_866 {strides = array<i32>} : memref<128xi32, #tpu.memory_space<vmem>>, vector<16xi32>,
      %iota3A_867 = tpu.iota {dimensions = array<i32: 0>} : vector<16xi32>
      %add3A_868 = arith.constant 16 : i32
      %add3A_869 = vector.broadcast %add3A_868 : i32 to vector<16xi32>
      %add3A_870 = arith.addi %iota3A_867, %add3A_869 : vector<16xi32>
      %mul3A_871 = arith.constant 200 : i32
      %mul3A_872 = vector.broadcast %mul3A_871 : i32 to vector<16xi32>
      %mul3A_873 = arith.muli %add3A_870, %mul3A_872 : vector<16xi32>
      %add3A_874 = vector.broadcast %add3A_853 : i32 to vector<16xi32>
      %add3A_875 = arith.addi %mul3A_873, %add3A_874 : vector<16xi32>
      %swap3A_876 = arith.constant 16 : index
      %swap3A_877 = tpu.vector_load %arg11[%swap3A_876] {strides = array<i32>} : memref<128xi32, #tpu.memory_space<vmem>>, vector<16xi32>,
      %swap3A_878 = vector.shape_cast %swap3A_877 : vector<16xi32> to vector<16xi32>
      %swap3A_879 = vector.shape_cast %add3A_875 : vector<16xi32> to vector<16xi32>
      tpu.vector_store %arg11[%swap3A_876], %swap3A_879 {strides = array<i32>} : memref<128xi32, #tpu.memory_space<vmem>>, vector<16xi32>,
      %iota3A_880 = tpu.iota {dimensions = array<i32: 0>} : vector<16xi32>
      %add3A_881 = arith.constant 32 : i32
      %add3A_882 = vector.broadcast %add3A_881 : i32 to vector<16xi32>
      %add3A_883 = arith.addi %iota3A_880, %add3A_882 : vector<16xi32>
      %mul3A_884 = arith.constant 200 : i32
      %mul3A_885 = vector.broadcast %mul3A_884 : i32 to vector<16xi32>
      %mul3A_886 = arith.muli %add3A_883, %mul3A_885 : vector<16xi32>
      %add3A_887 = vector.broadcast %add3A_853 : i32 to vector<16xi32>
      %add3A_888 = arith.addi %mul3A_886, %add3A_887 : vector<16xi32>
      %swap3A_889 = arith.constant 32 : index
      %swap3A_890 = tpu.vector_load %arg11[%swap3A_889] {strides = array<i32>} : memref<128xi32, #tpu.memory_space<vmem>>, vector<16xi32>,
      %swap3A_891 = vector.shape_cast %swap3A_890 : vector<16xi32> to vector<16xi32>
      %swap3A_892 = vector.shape_cast %add3A_888 : vector<16xi32> to vector<16xi32>
      tpu.vector_store %arg11[%swap3A_889], %swap3A_892 {strides = array<i32>} : memref<128xi32, #tpu.memory_space<vmem>>, vector<16xi32>,
      %iota3A_893 = tpu.iota {dimensions = array<i32: 0>} : vector<16xi32>
      %add3A_894 = arith.constant 48 : i32
      %add3A_895 = vector.broadcast %add3A_894 : i32 to vector<16xi32>
      %add3A_896 = arith.addi %iota3A_893, %add3A_895 : vector<16xi32>
      %mul3A_897 = arith.constant 200 : i32
      %mul3A_898 = vector.broadcast %mul3A_897 : i32 to vector<16xi32>
      %mul3A_899 = arith.muli %add3A_896, %mul3A_898 : vector<16xi32>
      %add3A_900 = vector.broadcast %add3A_853 : i32 to vector<16xi32>
      %add3A_901 = arith.addi %mul3A_899, %add3A_900 : vector<16xi32>
      %swap3A_902 = arith.constant 48 : index
      %swap3A_903 = tpu.vector_load %arg11[%swap3A_902] {strides = array<i32>} : memref<128xi32, #tpu.memory_space<vmem>>, vector<16xi32>,
      %swap3A_904 = vector.shape_cast %swap3A_903 : vector<16xi32> to vector<16xi32>
      %swap3A_905 = vector.shape_cast %add3A_901 : vector<16xi32> to vector<16xi32>
      tpu.vector_store %arg11[%swap3A_902], %swap3A_905 {strides = array<i32>} : memref<128xi32, #tpu.memory_space<vmem>>, vector<16xi32>,
      %iota3A_906 = tpu.iota {dimensions = array<i32: 0>} : vector<16xi32>
      %add3A_907 = arith.constant 64 : i32
      %add3A_908 = vector.broadcast %add3A_907 : i32 to vector<16xi32>
      %add3A_909 = arith.addi %iota3A_906, %add3A_908 : vector<16xi32>
      %mul3A_910 = arith.constant 200 : i32
      %mul3A_911 = vector.broadcast %mul3A_910 : i32 to vector<16xi32>
      %mul3A_912 = arith.muli %add3A_909, %mul3A_911 : vector<16xi32>
      %add3A_913 = vector.broadcast %add3A_853 : i32 to vector<16xi32>
      %add3A_914 = arith.addi %mul3A_912, %add3A_913 : vector<16xi32>
      %swap3A_915 = arith.constant 64 : index
      %swap3A_916 = tpu.vector_load %arg11[%swap3A_915] {strides = array<i32>} : memref<128xi32, #tpu.memory_space<vmem>>, vector<16xi32>,
      %swap3A_917 = vector.shape_cast %swap3A_916 : vector<16xi32> to vector<16xi32>
      %swap3A_918 = vector.shape_cast %add3A_914 : vector<16xi32> to vector<16xi32>
      tpu.vector_store %arg11[%swap3A_915], %swap3A_918 {strides = array<i32>} : memref<128xi32, #tpu.memory_space<vmem>>, vector<16xi32>,
      %iota3A_919 = tpu.iota {dimensions = array<i32: 0>} : vector<16xi32>
      %add3A_920 = arith.constant 80 : i32
      %add3A_921 = vector.broadcast %add3A_920 : i32 to vector<16xi32>
      %add3A_922 = arith.addi %iota3A_919, %add3A_921 : vector<16xi32>
      %mul3A_923 = arith.constant 200 : i32
      %mul3A_924 = vector.broadcast %mul3A_923 : i32 to vector<16xi32>
      %mul3A_925 = arith.muli %add3A_922, %mul3A_924 : vector<16xi32>
      %add3A_926 = vector.broadcast %add3A_853 : i32 to vector<16xi32>
      %add3A_927 = arith.addi %mul3A_925, %add3A_926 : vector<16xi32>
      %swap3A_928 = arith.constant 80 : index
      %swap3A_929 = tpu.vector_load %arg11[%swap3A_928] {strides = array<i32>} : memref<128xi32, #tpu.memory_space<vmem>>, vector<16xi32>,
      %swap3A_930 = vector.shape_cast %swap3A_929 : vector<16xi32> to vector<16xi32>
      %swap3A_931 = vector.shape_cast %add3A_927 : vector<16xi32> to vector<16xi32>
      tpu.vector_store %arg11[%swap3A_928], %swap3A_931 {strides = array<i32>} : memref<128xi32, #tpu.memory_space<vmem>>, vector<16xi32>,
      %iota3A_932 = tpu.iota {dimensions = array<i32: 0>} : vector<16xi32>
      %add3A_933 = arith.constant 96 : i32
      %add3A_934 = vector.broadcast %add3A_933 : i32 to vector<16xi32>
      %add3A_935 = arith.addi %iota3A_932, %add3A_934 : vector<16xi32>
      %mul3A_936 = arith.constant 200 : i32
      %mul3A_937 = vector.broadcast %mul3A_936 : i32 to vector<16xi32>
      %mul3A_938 = arith.muli %add3A_935, %mul3A_937 : vector<16xi32>
      %add3A_939 = vector.broadcast %add3A_853 : i32 to vector<16xi32>
      %add3A_940 = arith.addi %mul3A_938, %add3A_939 : vector<16xi32>
      %swap3A_941 = arith.constant 96 : index
      %swap3A_942 = tpu.vector_load %arg11[%swap3A_941] {strides = array<i32>} : memref<128xi32, #tpu.memory_space<vmem>>, vector<16xi32>,
      %swap3A_943 = vector.shape_cast %swap3A_942 : vector<16xi32> to vector<16xi32>
      %swap3A_944 = vector.shape_cast %add3A_940 : vector<16xi32> to vector<16xi32>
      tpu.vector_store %arg11[%swap3A_941], %swap3A_944 {strides = array<i32>} : memref<128xi32, #tpu.memory_space<vmem>>, vector<16xi32>,
      %iota3A_945 = tpu.iota {dimensions = array<i32: 0>} : vector<16xi32>
      %add3A_946 = arith.constant 112 : i32
      %add3A_947 = vector.broadcast %add3A_946 : i32 to vector<16xi32>
      %add3A_948 = arith.addi %iota3A_945, %add3A_947 : vector<16xi32>
      %mul3A_949 = arith.constant 200 : i32
      %mul3A_950 = vector.broadcast %mul3A_949 : i32 to vector<16xi32>
      %mul3A_951 = arith.muli %add3A_948, %mul3A_950 : vector<16xi32>
      %add3A_952 = vector.broadcast %add3A_853 : i32 to vector<16xi32>
      %add3A_953 = arith.addi %mul3A_951, %add3A_952 : vector<16xi32>
      %swap3A_954 = arith.constant 112 : index
      %swap3A_955 = tpu.vector_load %arg11[%swap3A_954] {strides = array<i32>} : memref<128xi32, #tpu.memory_space<vmem>>, vector<16xi32>,
      %swap3A_956 = vector.shape_cast %swap3A_955 : vector<16xi32> to vector<16xi32>
      %swap3A_957 = vector.shape_cast %add3A_953 : vector<16xi32> to vector<16xi32>
      tpu.vector_store %arg11[%swap3A_954], %swap3A_957 {strides = array<i32>} : memref<128xi32, #tpu.memory_space<vmem>>, vector<16xi32>,
      %get3A_958 = arith.index_cast %add3A_846 : i32 to index
      %get3A_959 = arith.constant 0 : index
      %get3A_960 = tpu.vector_load %arg7[%get3A_958, %get3A_959] {strides = array<i32>} : memref<200x128xf32, #tpu.memory_space<vmem>>, vector<1x16xf32>,
      %get3A_961 = vector.shape_cast %get3A_960 : vector<1x16xf32> to vector<16xf32>
      %get3A_962 = arith.index_cast %add3A_846 : i32 to index
      %get3A_963 = arith.constant 16 : index
      %get3A_964 = tpu.vector_load %arg7[%get3A_962, %get3A_963] {strides = array<i32>} : memref<200x128xf32, #tpu.memory_space<vmem>>, vector<1x16xf32>,
      %get3A_965 = vector.shape_cast %get3A_964 : vector<1x16xf32> to vector<16xf32>
      %get3A_966 = arith.index_cast %add3A_846 : i32 to index
      %get3A_967 = arith.constant 32 : index
      %get3A_968 = tpu.vector_load %arg7[%get3A_966, %get3A_967] {strides = array<i32>} : memref<200x128xf32, #tpu.memory_space<vmem>>, vector<1x16xf32>,
      %get3A_969 = vector.shape_cast %get3A_968 : vector<1x16xf32> to vector<16xf32>
      %get3A_970 = arith.index_cast %add3A_846 : i32 to index
      %get3A_971 = arith.constant 48 : index
      %get3A_972 = tpu.vector_load %arg7[%get3A_970, %get3A_971] {strides = array<i32>} : memref<200x128xf32, #tpu.memory_space<vmem>>, vector<1x16xf32>,
      %get3A_973 = vector.shape_cast %get3A_972 : vector<1x16xf32> to vector<16xf32>
      %get3A_974 = arith.index_cast %add3A_846 : i32 to index
      %get3A_975 = arith.constant 64 : index
      %get3A_976 = tpu.vector_load %arg7[%get3A_974, %get3A_975] {strides = array<i32>} : memref<200x128xf32, #tpu.memory_space<vmem>>, vector<1x16xf32>,
      %get3A_977 = vector.shape_cast %get3A_976 : vector<1x16xf32> to vector<16xf32>
      %get3A_978 = arith.index_cast %add3A_846 : i32 to index
      %get3A_979 = arith.constant 80 : index
      %get3A_980 = tpu.vector_load %arg7[%get3A_978, %get3A_979] {strides = array<i32>} : memref<200x128xf32, #tpu.memory_space<vmem>>, vector<1x16xf32>,
      %get3A_981 = vector.shape_cast %get3A_980 : vector<1x16xf32> to vector<16xf32>
      %get3A_982 = arith.index_cast %add3A_846 : i32 to index
      %get3A_983 = arith.constant 96 : index
      %get3A_984 = tpu.vector_load %arg7[%get3A_982, %get3A_983] {strides = array<i32>} : memref<200x128xf32, #tpu.memory_space<vmem>>, vector<1x16xf32>,
      %get3A_985 = vector.shape_cast %get3A_984 : vector<1x16xf32> to vector<16xf32>
      %get3A_986 = arith.index_cast %add3A_846 : i32 to index
      %get3A_987 = arith.constant 112 : index
      %get3A_988 = tpu.vector_load %arg7[%get3A_986, %get3A_987] {strides = array<i32>} : memref<200x128xf32, #tpu.memory_space<vmem>>, vector<1x16xf32>,
      %get3A_989 = vector.shape_cast %get3A_988 : vector<1x16xf32> to vector<16xf32>
      %add3A_990 = arith.constant 2 : i32
      %add3A_991 = arith.addi %add3A_846, %add3A_990 : i32
      %mul3A_992 = arith.constant 128 : i32
      %mul3A_993 = arith.muli %add3A_991, %mul3A_992 : i32
      %dma_start3A_994 = arith.constant 0 : i32
      %dma_start3A_995 = arith.constant 0 : i32
      %dma_start3A_996 = tpu.memref_slice %arg10[%dma_start3A_994, %dma_start3A_995] : memref<128x128xf32, #tpu.memory_space<vmem>> -> memref<64x128xf32, #tpu.memory_space<vmem>>
      %dma_start3A_997 = tpu.memref_slice %arg6[%mul3A_993] : memref<25600xi32, #tpu.memory_space<vmem>> -> memref<64xi32, #tpu.memory_space<vmem>>
      %dma_start3A_998 = arith.constant 0 : i32
      %dma_start3A_999 = arith.constant 0 : i32
      %dma_start3A_1000 = tpu.memref_slice %arg3[%dma_start3A_998, %dma_start3A_999] : memref<100000x128xf32, #tpu.memory_space<hbm>> -> memref<100000x128xf32, #tpu.memory_space<hbm>>
      tpu.enqueue_indirect_dma source(%dma_start3A_1000 : memref<100000x128xf32, #tpu.memory_space<hbm>>) target(%dma_start3A_996 : memref<64x128xf32, #tpu.memory_space<vmem>>) offsets(%dma_start3A_997 : memref<64xi32, #tpu.memory_space<vmem>>) semaphore(%arg16 : memref<!tpu.dma_semaphore, #tpu.memory_space<semaphore_mem>>)
      %mul3A_1001 = arith.constant 128 : i32
      %mul3A_1002 = arith.muli %add3A_991, %mul3A_1001 : i32
      %add3A_1003 = arith.constant 64 : i32
      %add3A_1004 = arith.addi %mul3A_1002, %add3A_1003 : i32
      %dma_start3A_1005 = arith.constant 64 : i32
      %dma_start3A_1006 = arith.constant 0 : i32
      %dma_start3A_1007 = tpu.memref_slice %arg10[%dma_start3A_1005, %dma_start3A_1006] : memref<128x128xf32, #tpu.memory_space<vmem>> -> memref<64x128xf32, #tpu.memory_space<vmem>>
      %dma_start3A_1008 = tpu.memref_slice %arg6[%add3A_1004] : memref<25600xi32, #tpu.memory_space<vmem>> -> memref<64xi32, #tpu.memory_space<vmem>>
      %dma_start3A_1009 = arith.constant 0 : i32
      %dma_start3A_1010 = arith.constant 0 : i32
      %dma_start3A_1011 = tpu.memref_slice %arg3[%dma_start3A_1009, %dma_start3A_1010] : memref<100000x128xf32, #tpu.memory_space<hbm>> -> memref<100000x128xf32, #tpu.memory_space<hbm>>
      tpu.enqueue_indirect_dma source(%dma_start3A_1011 : memref<100000x128xf32, #tpu.memory_space<hbm>>) target(%dma_start3A_1007 : memref<64x128xf32, #tpu.memory_space<vmem>>) offsets(%dma_start3A_1008 : memref<64xi32, #tpu.memory_space<vmem>>) semaphore(%arg16 : memref<!tpu.dma_semaphore, #tpu.memory_space<semaphore_mem>>)
      %add3A_1012 = arith.constant 1 : i32
      %add3A_1013 = arith.addi %mul3A_844, %add3A_1012 : i32
      %mul3A_1014 = arith.constant 128 : i32
      %mul3A_1015 = arith.muli %add3A_1013, %mul3A_1014 : i32
      %dma_wait3A_1016 = tpu.memref_slice %arg6[%mul3A_1015] : memref<25600xi32, #tpu.memory_space<vmem>> -> memref<128xi32, #tpu.memory_space<vmem>>
      %dma_wait3A_1017 = arith.constant 0 : i32
      %dma_wait3A_1018 = arith.constant 0 : i32
      %dma_wait3A_1019 = tpu.memref_slice %arg3[%dma_wait3A_1017, %dma_wait3A_1018] : memref<100000x128xf32, #tpu.memory_space<hbm>> -> memref<100000x128xf32, #tpu.memory_space<hbm>>
      tpu.wait_indirect_dma semaphore(%arg15 : memref<!tpu.dma_semaphore, #tpu.memory_space<semaphore_mem>>) src(%dma_wait3A_1019 : memref<100000x128xf32, #tpu.memory_space<hbm>>) dst(%arg9 : memref<128x128xf32, #tpu.memory_space<vmem>>)
      %add3A_1020 = arith.addi %mul3A_6, %add3A_1013 : i32
      %iota3A_1021 = tpu.iota {dimensions = array<i32: 0>} : vector<16xi32>
      %add3A_1022 = arith.constant 0 : i32
      %add3A_1023 = vector.broadcast %add3A_1022 : i32 to vector<16xi32>
      %add3A_1024 = arith.addi %iota3A_1021, %add3A_1023 : vector<16xi32>
      %mul3A_1025 = arith.constant 200 : i32
      %mul3A_1026 = vector.broadcast %mul3A_1025 : i32 to vector<16xi32>
      %mul3A_1027 = arith.muli %add3A_1024, %mul3A_1026 : vector<16xi32>
      %add3A_1028 = vector.broadcast %add3A_1020 : i32 to vector<16xi32>
      %add3A_1029 = arith.addi %mul3A_1027, %add3A_1028 : vector<16xi32>
      %swap3A_1030 = arith.constant 0 : index
      %swap3A_1031 = tpu.vector_load %arg12[%swap3A_1030] {strides = array<i32>} : memref<128xi32, #tpu.memory_space<vmem>>, vector<16xi32>,
      %swap3A_1032 = vector.shape_cast %swap3A_1031 : vector<16xi32> to vector<16xi32>
      %swap3A_1033 = vector.shape_cast %add3A_1029 : vector<16xi32> to vector<16xi32>
      tpu.vector_store %arg12[%swap3A_1030], %swap3A_1033 {strides = array<i32>} : memref<128xi32, #tpu.memory_space<vmem>>, vector<16xi32>,
      %iota3A_1034 = tpu.iota {dimensions = array<i32: 0>} : vector<16xi32>
      %add3A_1035 = arith.constant 16 : i32
      %add3A_1036 = vector.broadcast %add3A_1035 : i32 to vector<16xi32>
      %add3A_1037 = arith.addi %iota3A_1034, %add3A_1036 : vector<16xi32>
      %mul3A_1038 = arith.constant 200 : i32
      %mul3A_1039 = vector.broadcast %mul3A_1038 : i32 to vector<16xi32>
      %mul3A_1040 = arith.muli %add3A_1037, %mul3A_1039 : vector<16xi32>
      %add3A_1041 = vector.broadcast %add3A_1020 : i32 to vector<16xi32>
      %add3A_1042 = arith.addi %mul3A_1040, %add3A_1041 : vector<16xi32>
      %swap3A_1043 = arith.constant 16 : index
      %swap3A_1044 = tpu.vector_load %arg12[%swap3A_1043] {strides = array<i32>} : memref<128xi32, #tpu.memory_space<vmem>>, vector<16xi32>,
      %swap3A_1045 = vector.shape_cast %swap3A_1044 : vector<16xi32> to vector<16xi32>
      %swap3A_1046 = vector.shape_cast %add3A_1042 : vector<16xi32> to vector<16xi32>
      tpu.vector_store %arg12[%swap3A_1043], %swap3A_1046 {strides = array<i32>} : memref<128xi32, #tpu.memory_space<vmem>>, vector<16xi32>,
      %iota3A_1047 = tpu.iota {dimensions = array<i32: 0>} : vector<16xi32>
      %add3A_1048 = arith.constant 32 : i32
      %add3A_1049 = vector.broadcast %add3A_1048 : i32 to vector<16xi32>
      %add3A_1050 = arith.addi %iota3A_1047, %add3A_1049 : vector<16xi32>
      %mul3A_1051 = arith.constant 200 : i32
      %mul3A_1052 = vector.broadcast %mul3A_1051 : i32 to vector<16xi32>
      %mul3A_1053 = arith.muli %add3A_1050, %mul3A_1052 : vector<16xi32>
      %add3A_1054 = vector.broadcast %add3A_1020 : i32 to vector<16xi32>
      %add3A_1055 = arith.addi %mul3A_1053, %add3A_1054 : vector<16xi32>
      %swap3A_1056 = arith.constant 32 : index
      %swap3A_1057 = tpu.vector_load %arg12[%swap3A_1056] {strides = array<i32>} : memref<128xi32, #tpu.memory_space<vmem>>, vector<16xi32>,
      %swap3A_1058 = vector.shape_cast %swap3A_1057 : vector<16xi32> to vector<16xi32>
      %swap3A_1059 = vector.shape_cast %add3A_1055 : vector<16xi32> to vector<16xi32>
      tpu.vector_store %arg12[%swap3A_1056], %swap3A_1059 {strides = array<i32>} : memref<128xi32, #tpu.memory_space<vmem>>, vector<16xi32>,
      %iota3A_1060 = tpu.iota {dimensions = array<i32: 0>} : vector<16xi32>
      %add3A_1061 = arith.constant 48 : i32
      %add3A_1062 = vector.broadcast %add3A_1061 : i32 to vector<16xi32>
      %add3A_1063 = arith.addi %iota3A_1060, %add3A_1062 : vector<16xi32>
      %mul3A_1064 = arith.constant 200 : i32
      %mul3A_1065 = vector.broadcast %mul3A_1064 : i32 to vector<16xi32>
      %mul3A_1066 = arith.muli %add3A_1063, %mul3A_1065 : vector<16xi32>
      %add3A_1067 = vector.broadcast %add3A_1020 : i32 to vector<16xi32>
      %add3A_1068 = arith.addi %mul3A_1066, %add3A_1067 : vector<16xi32>
      %swap3A_1069 = arith.constant 48 : index
      %swap3A_1070 = tpu.vector_load %arg12[%swap3A_1069] {strides = array<i32>} : memref<128xi32, #tpu.memory_space<vmem>>, vector<16xi32>,
      %swap3A_1071 = vector.shape_cast %swap3A_1070 : vector<16xi32> to vector<16xi32>
      %swap3A_1072 = vector.shape_cast %add3A_1068 : vector<16xi32> to vector<16xi32>
      tpu.vector_store %arg12[%swap3A_1069], %swap3A_1072 {strides = array<i32>} : memref<128xi32, #tpu.memory_space<vmem>>, vector<16xi32>,
      %iota3A_1073 = tpu.iota {dimensions = array<i32: 0>} : vector<16xi32>
      %add3A_1074 = arith.constant 64 : i32
      %add3A_1075 = vector.broadcast %add3A_1074 : i32 to vector<16xi32>
      %add3A_1076 = arith.addi %iota3A_1073, %add3A_1075 : vector<16xi32>
      %mul3A_1077 = arith.constant 200 : i32
      %mul3A_1078 = vector.broadcast %mul3A_1077 : i32 to vector<16xi32>
      %mul3A_1079 = arith.muli %add3A_1076, %mul3A_1078 : vector<16xi32>
      %add3A_1080 = vector.broadcast %add3A_1020 : i32 to vector<16xi32>
      %add3A_1081 = arith.addi %mul3A_1079, %add3A_1080 : vector<16xi32>
      %swap3A_1082 = arith.constant 64 : index
      %swap3A_1083 = tpu.vector_load %arg12[%swap3A_1082] {strides = array<i32>} : memref<128xi32, #tpu.memory_space<vmem>>, vector<16xi32>,
      %swap3A_1084 = vector.shape_cast %swap3A_1083 : vector<16xi32> to vector<16xi32>
      %swap3A_1085 = vector.shape_cast %add3A_1081 : vector<16xi32> to vector<16xi32>
      tpu.vector_store %arg12[%swap3A_1082], %swap3A_1085 {strides = array<i32>} : memref<128xi32, #tpu.memory_space<vmem>>, vector<16xi32>,
      %iota3A_1086 = tpu.iota {dimensions = array<i32: 0>} : vector<16xi32>
      %add3A_1087 = arith.constant 80 : i32
      %add3A_1088 = vector.broadcast %add3A_1087 : i32 to vector<16xi32>
      %add3A_1089 = arith.addi %iota3A_1086, %add3A_1088 : vector<16xi32>
      %mul3A_1090 = arith.constant 200 : i32
      %mul3A_1091 = vector.broadcast %mul3A_1090 : i32 to vector<16xi32>
      %mul3A_1092 = arith.muli %add3A_1089, %mul3A_1091 : vector<16xi32>
      %add3A_1093 = vector.broadcast %add3A_1020 : i32 to vector<16xi32>
      %add3A_1094 = arith.addi %mul3A_1092, %add3A_1093 : vector<16xi32>
      %swap3A_1095 = arith.constant 80 : index
      %swap3A_1096 = tpu.vector_load %arg12[%swap3A_1095] {strides = array<i32>} : memref<128xi32, #tpu.memory_space<vmem>>, vector<16xi32>,
      %swap3A_1097 = vector.shape_cast %swap3A_1096 : vector<16xi32> to vector<16xi32>
      %swap3A_1098 = vector.shape_cast %add3A_1094 : vector<16xi32> to vector<16xi32>
      tpu.vector_store %arg12[%swap3A_1095], %swap3A_1098 {strides = array<i32>} : memref<128xi32, #tpu.memory_space<vmem>>, vector<16xi32>,
      %iota3A_1099 = tpu.iota {dimensions = array<i32: 0>} : vector<16xi32>
      %add3A_1100 = arith.constant 96 : i32
      %add3A_1101 = vector.broadcast %add3A_1100 : i32 to vector<16xi32>
      %add3A_1102 = arith.addi %iota3A_1099, %add3A_1101 : vector<16xi32>
      %mul3A_1103 = arith.constant 200 : i32
      %mul3A_1104 = vector.broadcast %mul3A_1103 : i32 to vector<16xi32>
      %mul3A_1105 = arith.muli %add3A_1102, %mul3A_1104 : vector<16xi32>
      %add3A_1106 = vector.broadcast %add3A_1020 : i32 to vector<16xi32>
      %add3A_1107 = arith.addi %mul3A_1105, %add3A_1106 : vector<16xi32>
      %swap3A_1108 = arith.constant 96 : index
      %swap3A_1109 = tpu.vector_load %arg12[%swap3A_1108] {strides = array<i32>} : memref<128xi32, #tpu.memory_space<vmem>>, vector<16xi32>,
      %swap3A_1110 = vector.shape_cast %swap3A_1109 : vector<16xi32> to vector<16xi32>
      %swap3A_1111 = vector.shape_cast %add3A_1107 : vector<16xi32> to vector<16xi32>
      tpu.vector_store %arg12[%swap3A_1108], %swap3A_1111 {strides = array<i32>} : memref<128xi32, #tpu.memory_space<vmem>>, vector<16xi32>,
      %iota3A_1112 = tpu.iota {dimensions = array<i32: 0>} : vector<16xi32>
      %add3A_1113 = arith.constant 112 : i32
      %add3A_1114 = vector.broadcast %add3A_1113 : i32 to vector<16xi32>
      %add3A_1115 = arith.addi %iota3A_1112, %add3A_1114 : vector<16xi32>
      %mul3A_1116 = arith.constant 200 : i32
      %mul3A_1117 = vector.broadcast %mul3A_1116 : i32 to vector<16xi32>
      %mul3A_1118 = arith.muli %add3A_1115, %mul3A_1117 : vector<16xi32>
      %add3A_1119 = vector.broadcast %add3A_1020 : i32 to vector<16xi32>
      %add3A_1120 = arith.addi %mul3A_1118, %add3A_1119 : vector<16xi32>
      %swap3A_1121 = arith.constant 112 : index
      %swap3A_1122 = tpu.vector_load %arg12[%swap3A_1121] {strides = array<i32>} : memref<128xi32, #tpu.memory_space<vmem>>, vector<16xi32>,
      %swap3A_1123 = vector.shape_cast %swap3A_1122 : vector<16xi32> to vector<16xi32>
      %swap3A_1124 = vector.shape_cast %add3A_1120 : vector<16xi32> to vector<16xi32>
      tpu.vector_store %arg12[%swap3A_1121], %swap3A_1124 {strides = array<i32>} : memref<128xi32, #tpu.memory_space<vmem>>, vector<16xi32>,
      %get3A_1125 = arith.index_cast %add3A_1013 : i32 to index
      %get3A_1126 = arith.constant 0 : index
      %get3A_1127 = tpu.vector_load %arg7[%get3A_1125, %get3A_1126] {strides = array<i32>} : memref<200x128xf32, #tpu.memory_space<vmem>>, vector<1x16xf32>,
      %get3A_1128 = vector.shape_cast %get3A_1127 : vector<1x16xf32> to vector<16xf32>
      %get3A_1129 = arith.index_cast %add3A_1013 : i32 to index
      %get3A_1130 = arith.constant 16 : index
      %get3A_1131 = tpu.vector_load %arg7[%get3A_1129, %get3A_1130] {strides = array<i32>} : memref<200x128xf32, #tpu.memory_space<vmem>>, vector<1x16xf32>,
      %get3A_1132 = vector.shape_cast %get3A_1131 : vector<1x16xf32> to vector<16xf32>
      %get3A_1133 = arith.index_cast %add3A_1013 : i32 to index
      %get3A_1134 = arith.constant 32 : index
      %get3A_1135 = tpu.vector_load %arg7[%get3A_1133, %get3A_1134] {strides = array<i32>} : memref<200x128xf32, #tpu.memory_space<vmem>>, vector<1x16xf32>,
      %get3A_1136 = vector.shape_cast %get3A_1135 : vector<1x16xf32> to vector<16xf32>
      %get3A_1137 = arith.index_cast %add3A_1013 : i32 to index
      %get3A_1138 = arith.constant 48 : index
      %get3A_1139 = tpu.vector_load %arg7[%get3A_1137, %get3A_1138] {strides = array<i32>} : memref<200x128xf32, #tpu.memory_space<vmem>>, vector<1x16xf32>,
      %get3A_1140 = vector.shape_cast %get3A_1139 : vector<1x16xf32> to vector<16xf32>
      %get3A_1141 = arith.index_cast %add3A_1013 : i32 to index
      %get3A_1142 = arith.constant 64 : index
      %get3A_1143 = tpu.vector_load %arg7[%get3A_1141, %get3A_1142] {strides = array<i32>} : memref<200x128xf32, #tpu.memory_space<vmem>>, vector<1x16xf32>,
      %get3A_1144 = vector.shape_cast %get3A_1143 : vector<1x16xf32> to vector<16xf32>
      %get3A_1145 = arith.index_cast %add3A_1013 : i32 to index
      %get3A_1146 = arith.constant 80 : index
      %get3A_1147 = tpu.vector_load %arg7[%get3A_1145, %get3A_1146] {strides = array<i32>} : memref<200x128xf32, #tpu.memory_space<vmem>>, vector<1x16xf32>,
      %get3A_1148 = vector.shape_cast %get3A_1147 : vector<1x16xf32> to vector<16xf32>
      %get3A_1149 = arith.index_cast %add3A_1013 : i32 to index
      %get3A_1150 = arith.constant 96 : index
      %get3A_1151 = tpu.vector_load %arg7[%get3A_1149, %get3A_1150] {strides = array<i32>} : memref<200x128xf32, #tpu.memory_space<vmem>>, vector<1x16xf32>,
      %get3A_1152 = vector.shape_cast %get3A_1151 : vector<1x16xf32> to vector<16xf32>
      %get3A_1153 = arith.index_cast %add3A_1013 : i32 to index
      %get3A_1154 = arith.constant 112 : index
      %get3A_1155 = tpu.vector_load %arg7[%get3A_1153, %get3A_1154] {strides = array<i32>} : memref<200x128xf32, #tpu.memory_space<vmem>>, vector<1x16xf32>,
      %get3A_1156 = vector.shape_cast %get3A_1155 : vector<1x16xf32> to vector<16xf32>
      %add3A_1157 = arith.constant 2 : i32
      %add3A_1158 = arith.addi %add3A_1013, %add3A_1157 : i32
      %mul3A_1159 = arith.constant 128 : i32
      %mul3A_1160 = arith.muli %add3A_1158, %mul3A_1159 : i32
      %dma_start3A_1161 = arith.constant 0 : i32
      %dma_start3A_1162 = arith.constant 0 : i32
      %dma_start3A_1163 = tpu.memref_slice %arg8[%dma_start3A_1161, %dma_start3A_1162] : memref<128x128xf32, #tpu.memory_space<vmem>> -> memref<64x128xf32, #tpu.memory_space<vmem>>
      %dma_start3A_1164 = tpu.memref_slice %arg6[%mul3A_1160] : memref<25600xi32, #tpu.memory_space<vmem>> -> memref<64xi32, #tpu.memory_space<vmem>>
      %dma_start3A_1165 = arith.constant 0 : i32
      %dma_start3A_1166 = arith.constant 0 : i32
      %dma_start3A_1167 = tpu.memref_slice %arg3[%dma_start3A_1165, %dma_start3A_1166] : memref<100000x128xf32, #tpu.memory_space<hbm>> -> memref<100000x128xf32, #tpu.memory_space<hbm>>
      tpu.enqueue_indirect_dma source(%dma_start3A_1167 : memref<100000x128xf32, #tpu.memory_space<hbm>>) target(%dma_start3A_1163 : memref<64x128xf32, #tpu.memory_space<vmem>>) offsets(%dma_start3A_1164 : memref<64xi32, #tpu.memory_space<vmem>>) semaphore(%arg14 : memref<!tpu.dma_semaphore, #tpu.memory_space<semaphore_mem>>)
      %mul3A_1168 = arith.constant 128 : i32
      %mul3A_1169 = arith.muli %add3A_1158, %mul3A_1168 : i32
      %add3A_1170 = arith.constant 64 : i32
      %add3A_1171 = arith.addi %mul3A_1169, %add3A_1170 : i32
      %dma_start3A_1172 = arith.constant 64 : i32
      %dma_start3A_1173 = arith.constant 0 : i32
      %dma_start3A_1174 = tpu.memref_slice %arg8[%dma_start3A_1172, %dma_start3A_1173] : memref<128x128xf32, #tpu.memory_space<vmem>> -> memref<64x128xf32, #tpu.memory_space<vmem>>
      %dma_start3A_1175 = tpu.memref_slice %arg6[%add3A_1171] : memref<25600xi32, #tpu.memory_space<vmem>> -> memref<64xi32, #tpu.memory_space<vmem>>
      %dma_start3A_1176 = arith.constant 0 : i32
      %dma_start3A_1177 = arith.constant 0 : i32
      %dma_start3A_1178 = tpu.memref_slice %arg3[%dma_start3A_1176, %dma_start3A_1177] : memref<100000x128xf32, #tpu.memory_space<hbm>> -> memref<100000x128xf32, #tpu.memory_space<hbm>>
      tpu.enqueue_indirect_dma source(%dma_start3A_1178 : memref<100000x128xf32, #tpu.memory_space<hbm>>) target(%dma_start3A_1174 : memref<64x128xf32, #tpu.memory_space<vmem>>) offsets(%dma_start3A_1175 : memref<64xi32, #tpu.memory_space<vmem>>) semaphore(%arg14 : memref<!tpu.dma_semaphore, #tpu.memory_space<semaphore_mem>>)
      %add3A_1179 = arith.constant 2 : i32
      %add3A_1180 = arith.addi %mul3A_844, %add3A_1179 : i32
      %mul3A_1181 = arith.constant 128 : i32
      %mul3A_1182 = arith.muli %add3A_1180, %mul3A_1181 : i32
      %dma_wait3A_1183 = tpu.memref_slice %arg6[%mul3A_1182] : memref<25600xi32, #tpu.memory_space<vmem>> -> memref<128xi32, #tpu.memory_space<vmem>>
      %dma_wait3A_1184 = arith.constant 0 : i32
      %dma_wait3A_1185 = arith.constant 0 : i32
      %dma_wait3A_1186 = tpu.memref_slice %arg3[%dma_wait3A_1184, %dma_wait3A_1185] : memref<100000x128xf32, #tpu.memory_space<hbm>> -> memref<100000x128xf32, #tpu.memory_space<hbm>>
      tpu.wait_indirect_dma semaphore(%arg16 : memref<!tpu.dma_semaphore, #tpu.memory_space<semaphore_mem>>) src(%dma_wait3A_1186 : memref<100000x128xf32, #tpu.memory_space<hbm>>) dst(%arg10 : memref<128x128xf32, #tpu.memory_space<vmem>>)
      %add3A_1187 = arith.addi %mul3A_6, %add3A_1180 : i32
      %iota3A_1188 = tpu.iota {dimensions = array<i32: 0>} : vector<16xi32>
      %add3A_1189 = arith.constant 0 : i32
      %add3A_1190 = vector.broadcast %add3A_1189 : i32 to vector<16xi32>
      %add3A_1191 = arith.addi %iota3A_1188, %add3A_1190 : vector<16xi32>
      %mul3A_1192 = arith.constant 200 : i32
      %mul3A_1193 = vector.broadcast %mul3A_1192 : i32 to vector<16xi32>
      %mul3A_1194 = arith.muli %add3A_1191, %mul3A_1193 : vector<16xi32>
      %add3A_1195 = vector.broadcast %add3A_1187 : i32 to vector<16xi32>
      %add3A_1196 = arith.addi %mul3A_1194, %add3A_1195 : vector<16xi32>
      %swap3A_1197 = arith.constant 0 : index
      %swap3A_1198 = tpu.vector_load %arg13[%swap3A_1197] {strides = array<i32>} : memref<128xi32, #tpu.memory_space<vmem>>, vector<16xi32>,
      %swap3A_1199 = vector.shape_cast %swap3A_1198 : vector<16xi32> to vector<16xi32>
      %swap3A_1200 = vector.shape_cast %add3A_1196 : vector<16xi32> to vector<16xi32>
      tpu.vector_store %arg13[%swap3A_1197], %swap3A_1200 {strides = array<i32>} : memref<128xi32, #tpu.memory_space<vmem>>, vector<16xi32>,
      %iota3A_1201 = tpu.iota {dimensions = array<i32: 0>} : vector<16xi32>
      %add3A_1202 = arith.constant 16 : i32
      %add3A_1203 = vector.broadcast %add3A_1202 : i32 to vector<16xi32>
      %add3A_1204 = arith.addi %iota3A_1201, %add3A_1203 : vector<16xi32>
      %mul3A_1205 = arith.constant 200 : i32
      %mul3A_1206 = vector.broadcast %mul3A_1205 : i32 to vector<16xi32>
      %mul3A_1207 = arith.muli %add3A_1204, %mul3A_1206 : vector<16xi32>
      %add3A_1208 = vector.broadcast %add3A_1187 : i32 to vector<16xi32>
      %add3A_1209 = arith.addi %mul3A_1207, %add3A_1208 : vector<16xi32>
      %swap3A_1210 = arith.constant 16 : index
      %swap3A_1211 = tpu.vector_load %arg13[%swap3A_1210] {strides = array<i32>} : memref<128xi32, #tpu.memory_space<vmem>>, vector<16xi32>,
      %swap3A_1212 = vector.shape_cast %swap3A_1211 : vector<16xi32> to vector<16xi32>
      %swap3A_1213 = vector.shape_cast %add3A_1209 : vector<16xi32> to vector<16xi32>
      tpu.vector_store %arg13[%swap3A_1210], %swap3A_1213 {strides = array<i32>} : memref<128xi32, #tpu.memory_space<vmem>>, vector<16xi32>,
      %iota3A_1214 = tpu.iota {dimensions = array<i32: 0>} : vector<16xi32>
      %add3A_1215 = arith.constant 32 : i32
      %add3A_1216 = vector.broadcast %add3A_1215 : i32 to vector<16xi32>
      %add3A_1217 = arith.addi %iota3A_1214, %add3A_1216 : vector<16xi32>
      %mul3A_1218 = arith.constant 200 : i32
      %mul3A_1219 = vector.broadcast %mul3A_1218 : i32 to vector<16xi32>
      %mul3A_1220 = arith.muli %add3A_1217, %mul3A_1219 : vector<16xi32>
      %add3A_1221 = vector.broadcast %add3A_1187 : i32 to vector<16xi32>
      %add3A_1222 = arith.addi %mul3A_1220, %add3A_1221 : vector<16xi32>
      %swap3A_1223 = arith.constant 32 : index
      %swap3A_1224 = tpu.vector_load %arg13[%swap3A_1223] {strides = array<i32>} : memref<128xi32, #tpu.memory_space<vmem>>, vector<16xi32>,
      %swap3A_1225 = vector.shape_cast %swap3A_1224 : vector<16xi32> to vector<16xi32>
      %swap3A_1226 = vector.shape_cast %add3A_1222 : vector<16xi32> to vector<16xi32>
      tpu.vector_store %arg13[%swap3A_1223], %swap3A_1226 {strides = array<i32>} : memref<128xi32, #tpu.memory_space<vmem>>, vector<16xi32>,
      %iota3A_1227 = tpu.iota {dimensions = array<i32: 0>} : vector<16xi32>
      %add3A_1228 = arith.constant 48 : i32
      %add3A_1229 = vector.broadcast %add3A_1228 : i32 to vector<16xi32>
      %add3A_1230 = arith.addi %iota3A_1227, %add3A_1229 : vector<16xi32>
      %mul3A_1231 = arith.constant 200 : i32
      %mul3A_1232 = vector.broadcast %mul3A_1231 : i32 to vector<16xi32>
      %mul3A_1233 = arith.muli %add3A_1230, %mul3A_1232 : vector<16xi32>
      %add3A_1234 = vector.broadcast %add3A_1187 : i32 to vector<16xi32>
      %add3A_1235 = arith.addi %mul3A_1233, %add3A_1234 : vector<16xi32>
      %swap3A_1236 = arith.constant 48 : index
      %swap3A_1237 = tpu.vector_load %arg13[%swap3A_1236] {strides = array<i32>} : memref<128xi32, #tpu.memory_space<vmem>>, vector<16xi32>,
      %swap3A_1238 = vector.shape_cast %swap3A_1237 : vector<16xi32> to vector<16xi32>
      %swap3A_1239 = vector.shape_cast %add3A_1235 : vector<16xi32> to vector<16xi32>
      tpu.vector_store %arg13[%swap3A_1236], %swap3A_1239 {strides = array<i32>} : memref<128xi32, #tpu.memory_space<vmem>>, vector<16xi32>,
      %iota3A_1240 = tpu.iota {dimensions = array<i32: 0>} : vector<16xi32>
      %add3A_1241 = arith.constant 64 : i32
      %add3A_1242 = vector.broadcast %add3A_1241 : i32 to vector<16xi32>
      %add3A_1243 = arith.addi %iota3A_1240, %add3A_1242 : vector<16xi32>
      %mul3A_1244 = arith.constant 200 : i32
      %mul3A_1245 = vector.broadcast %mul3A_1244 : i32 to vector<16xi32>
      %mul3A_1246 = arith.muli %add3A_1243, %mul3A_1245 : vector<16xi32>
      %add3A_1247 = vector.broadcast %add3A_1187 : i32 to vector<16xi32>
      %add3A_1248 = arith.addi %mul3A_1246, %add3A_1247 : vector<16xi32>
      %swap3A_1249 = arith.constant 64 : index
      %swap3A_1250 = tpu.vector_load %arg13[%swap3A_1249] {strides = array<i32>} : memref<128xi32, #tpu.memory_space<vmem>>, vector<16xi32>,
      %swap3A_1251 = vector.shape_cast %swap3A_1250 : vector<16xi32> to vector<16xi32>
      %swap3A_1252 = vector.shape_cast %add3A_1248 : vector<16xi32> to vector<16xi32>
      tpu.vector_store %arg13[%swap3A_1249], %swap3A_1252 {strides = array<i32>} : memref<128xi32, #tpu.memory_space<vmem>>, vector<16xi32>,
      %iota3A_1253 = tpu.iota {dimensions = array<i32: 0>} : vector<16xi32>
      %add3A_1254 = arith.constant 80 : i32
      %add3A_1255 = vector.broadcast %add3A_1254 : i32 to vector<16xi32>
      %add3A_1256 = arith.addi %iota3A_1253, %add3A_1255 : vector<16xi32>
      %mul3A_1257 = arith.constant 200 : i32
      %mul3A_1258 = vector.broadcast %mul3A_1257 : i32 to vector<16xi32>
      %mul3A_1259 = arith.muli %add3A_1256, %mul3A_1258 : vector<16xi32>
      %add3A_1260 = vector.broadcast %add3A_1187 : i32 to vector<16xi32>
      %add3A_1261 = arith.addi %mul3A_1259, %add3A_1260 : vector<16xi32>
      %swap3A_1262 = arith.constant 80 : index
      %swap3A_1263 = tpu.vector_load %arg13[%swap3A_1262] {strides = array<i32>} : memref<128xi32, #tpu.memory_space<vmem>>, vector<16xi32>,
      %swap3A_1264 = vector.shape_cast %swap3A_1263 : vector<16xi32> to vector<16xi32>
      %swap3A_1265 = vector.shape_cast %add3A_1261 : vector<16xi32> to vector<16xi32>
      tpu.vector_store %arg13[%swap3A_1262], %swap3A_1265 {strides = array<i32>} : memref<128xi32, #tpu.memory_space<vmem>>, vector<16xi32>,
      %iota3A_1266 = tpu.iota {dimensions = array<i32: 0>} : vector<16xi32>
      %add3A_1267 = arith.constant 96 : i32
      %add3A_1268 = vector.broadcast %add3A_1267 : i32 to vector<16xi32>
      %add3A_1269 = arith.addi %iota3A_1266, %add3A_1268 : vector<16xi32>
      %mul3A_1270 = arith.constant 200 : i32
      %mul3A_1271 = vector.broadcast %mul3A_1270 : i32 to vector<16xi32>
      %mul3A_1272 = arith.muli %add3A_1269, %mul3A_1271 : vector<16xi32>
      %add3A_1273 = vector.broadcast %add3A_1187 : i32 to vector<16xi32>
      %add3A_1274 = arith.addi %mul3A_1272, %add3A_1273 : vector<16xi32>
      %swap3A_1275 = arith.constant 96 : index
      %swap3A_1276 = tpu.vector_load %arg13[%swap3A_1275] {strides = array<i32>} : memref<128xi32, #tpu.memory_space<vmem>>, vector<16xi32>,
      %swap3A_1277 = vector.shape_cast %swap3A_1276 : vector<16xi32> to vector<16xi32>
      %swap3A_1278 = vector.shape_cast %add3A_1274 : vector<16xi32> to vector<16xi32>
      tpu.vector_store %arg13[%swap3A_1275], %swap3A_1278 {strides = array<i32>} : memref<128xi32, #tpu.memory_space<vmem>>, vector<16xi32>,
      %iota3A_1279 = tpu.iota {dimensions = array<i32: 0>} : vector<16xi32>
      %add3A_1280 = arith.constant 112 : i32
      %add3A_1281 = vector.broadcast %add3A_1280 : i32 to vector<16xi32>
      %add3A_1282 = arith.addi %iota3A_1279, %add3A_1281 : vector<16xi32>
      %mul3A_1283 = arith.constant 200 : i32
      %mul3A_1284 = vector.broadcast %mul3A_1283 : i32 to vector<16xi32>
      %mul3A_1285 = arith.muli %add3A_1282, %mul3A_1284 : vector<16xi32>
      %add3A_1286 = vector.broadcast %add3A_1187 : i32 to vector<16xi32>
      %add3A_1287 = arith.addi %mul3A_1285, %add3A_1286 : vector<16xi32>
      %swap3A_1288 = arith.constant 112 : index
      %swap3A_1289 = tpu.vector_load %arg13[%swap3A_1288] {strides = array<i32>} : memref<128xi32, #tpu.memory_space<vmem>>, vector<16xi32>,
      %swap3A_1290 = vector.shape_cast %swap3A_1289 : vector<16xi32> to vector<16xi32>
      %swap3A_1291 = vector.shape_cast %add3A_1287 : vector<16xi32> to vector<16xi32>
      tpu.vector_store %arg13[%swap3A_1288], %swap3A_1291 {strides = array<i32>} : memref<128xi32, #tpu.memory_space<vmem>>, vector<16xi32>,
      %get3A_1292 = arith.index_cast %add3A_1180 : i32 to index
      %get3A_1293 = arith.constant 0 : index
      %get3A_1294 = tpu.vector_load %arg7[%get3A_1292, %get3A_1293] {strides = array<i32>} : memref<200x128xf32, #tpu.memory_space<vmem>>, vector<1x16xf32>,
      %get3A_1295 = vector.shape_cast %get3A_1294 : vector<1x16xf32> to vector<16xf32>
      %get3A_1296 = arith.index_cast %add3A_1180 : i32 to index
      %get3A_1297 = arith.constant 16 : index
      %get3A_1298 = tpu.vector_load %arg7[%get3A_1296, %get3A_1297] {strides = array<i32>} : memref<200x128xf32, #tpu.memory_space<vmem>>, vector<1x16xf32>,
      %get3A_1299 = vector.shape_cast %get3A_1298 : vector<1x16xf32> to vector<16xf32>
      %get3A_1300 = arith.index_cast %add3A_1180 : i32 to index
      %get3A_1301 = arith.constant 32 : index
      %get3A_1302 = tpu.vector_load %arg7[%get3A_1300, %get3A_1301] {strides = array<i32>} : memref<200x128xf32, #tpu.memory_space<vmem>>, vector<1x16xf32>,
      %get3A_1303 = vector.shape_cast %get3A_1302 : vector<1x16xf32> to vector<16xf32>
      %get3A_1304 = arith.index_cast %add3A_1180 : i32 to index
      %get3A_1305 = arith.constant 48 : index
      %get3A_1306 = tpu.vector_load %arg7[%get3A_1304, %get3A_1305] {strides = array<i32>} : memref<200x128xf32, #tpu.memory_space<vmem>>, vector<1x16xf32>,
      %get3A_1307 = vector.shape_cast %get3A_1306 : vector<1x16xf32> to vector<16xf32>
      %get3A_1308 = arith.index_cast %add3A_1180 : i32 to index
      %get3A_1309 = arith.constant 64 : index
      %get3A_1310 = tpu.vector_load %arg7[%get3A_1308, %get3A_1309] {strides = array<i32>} : memref<200x128xf32, #tpu.memory_space<vmem>>, vector<1x16xf32>,
      %get3A_1311 = vector.shape_cast %get3A_1310 : vector<1x16xf32> to vector<16xf32>
      %get3A_1312 = arith.index_cast %add3A_1180 : i32 to index
      %get3A_1313 = arith.constant 80 : index
      %get3A_1314 = tpu.vector_load %arg7[%get3A_1312, %get3A_1313] {strides = array<i32>} : memref<200x128xf32, #tpu.memory_space<vmem>>, vector<1x16xf32>,
      %get3A_1315 = vector.shape_cast %get3A_1314 : vector<1x16xf32> to vector<16xf32>
      %get3A_1316 = arith.index_cast %add3A_1180 : i32 to index
      %get3A_1317 = arith.constant 96 : index
      %get3A_1318 = tpu.vector_load %arg7[%get3A_1316, %get3A_1317] {strides = array<i32>} : memref<200x128xf32, #tpu.memory_space<vmem>>, vector<1x16xf32>,
      %get3A_1319 = vector.shape_cast %get3A_1318 : vector<1x16xf32> to vector<16xf32>
      %get3A_1320 = arith.index_cast %add3A_1180 : i32 to index
      %get3A_1321 = arith.constant 112 : index
      %get3A_1322 = tpu.vector_load %arg7[%get3A_1320, %get3A_1321] {strides = array<i32>} : memref<200x128xf32, #tpu.memory_space<vmem>>, vector<1x16xf32>,
      %get3A_1323 = vector.shape_cast %get3A_1322 : vector<1x16xf32> to vector<16xf32>
      %add3A_1324 = arith.constant 2 : i32
      %add3A_1325 = arith.addi %add3A_1180, %add3A_1324 : i32
      %mul3A_1326 = arith.constant 128 : i32
      %mul3A_1327 = arith.muli %add3A_1325, %mul3A_1326 : i32
      %dma_start3A_1328 = arith.constant 0 : i32
      %dma_start3A_1329 = arith.constant 0 : i32
      %dma_start3A_1330 = tpu.memref_slice %arg9[%dma_start3A_1328, %dma_start3A_1329] : memref<128x128xf32, #tpu.memory_space<vmem>> -> memref<64x128xf32, #tpu.memory_space<vmem>>
      %dma_start3A_1331 = tpu.memref_slice %arg6[%mul3A_1327] : memref<25600xi32, #tpu.memory_space<vmem>> -> memref<64xi32, #tpu.memory_space<vmem>>
      %dma_start3A_1332 = arith.constant 0 : i32
      %dma_start3A_1333 = arith.constant 0 : i32
      %dma_start3A_1334 = tpu.memref_slice %arg3[%dma_start3A_1332, %dma_start3A_1333] : memref<100000x128xf32, #tpu.memory_space<hbm>> -> memref<100000x128xf32, #tpu.memory_space<hbm>>
      tpu.enqueue_indirect_dma source(%dma_start3A_1334 : memref<100000x128xf32, #tpu.memory_space<hbm>>) target(%dma_start3A_1330 : memref<64x128xf32, #tpu.memory_space<vmem>>) offsets(%dma_start3A_1331 : memref<64xi32, #tpu.memory_space<vmem>>) semaphore(%arg15 : memref<!tpu.dma_semaphore, #tpu.memory_space<semaphore_mem>>)
      %mul3A_1335 = arith.constant 128 : i32
      %mul3A_1336 = arith.muli %add3A_1325, %mul3A_1335 : i32
      %add3A_1337 = arith.constant 64 : i32
      %add3A_1338 = arith.addi %mul3A_1336, %add3A_1337 : i32
      %dma_start3A_1339 = arith.constant 64 : i32
      %dma_start3A_1340 = arith.constant 0 : i32
      %dma_start3A_1341 = tpu.memref_slice %arg9[%dma_start3A_1339, %dma_start3A_1340] : memref<128x128xf32, #tpu.memory_space<vmem>> -> memref<64x128xf32, #tpu.memory_space<vmem>>
      %dma_start3A_1342 = tpu.memref_slice %arg6[%add3A_1338] : memref<25600xi32, #tpu.memory_space<vmem>> -> memref<64xi32, #tpu.memory_space<vmem>>
      %dma_start3A_1343 = arith.constant 0 : i32
      %dma_start3A_1344 = arith.constant 0 : i32
      %dma_start3A_1345 = tpu.memref_slice %arg3[%dma_start3A_1343, %dma_start3A_1344] : memref<100000x128xf32, #tpu.memory_space<hbm>> -> memref<100000x128xf32, #tpu.memory_space<hbm>>
      tpu.enqueue_indirect_dma source(%dma_start3A_1345 : memref<100000x128xf32, #tpu.memory_space<hbm>>) target(%dma_start3A_1341 : memref<64x128xf32, #tpu.memory_space<vmem>>) offsets(%dma_start3A_1342 : memref<64xi32, #tpu.memory_space<vmem>>) semaphore(%arg15 : memref<!tpu.dma_semaphore, #tpu.memory_space<semaphore_mem>>)
    }
    %scan3A_539 = arith.constant 65 : i32
    %dma_wait3A_540 = arith.constant 25344 : i32
    %dma_wait3A_541 = tpu.memref_slice %arg6[%dma_wait3A_540] : memref<25600xi32, #tpu.memory_space<vmem>> -> memref<128xi32, #tpu.memory_space<vmem>>
    %dma_wait3A_542 = arith.constant 0 : i32
    %dma_wait3A_543 = arith.constant 0 : i32
    %dma_wait3A_544 = tpu.memref_slice %arg3[%dma_wait3A_542, %dma_wait3A_543] : memref<100000x128xf32, #tpu.memory_space<hbm>> -> memref<100000x128xf32, #tpu.memory_space<hbm>>
    tpu.wait_indirect_dma semaphore(%arg14 : memref<!tpu.dma_semaphore, #tpu.memory_space<semaphore_mem>>) src(%dma_wait3A_544 : memref<100000x128xf32, #tpu.memory_space<hbm>>) dst(%arg8 : memref<128x128xf32, #tpu.memory_space<vmem>>)
    %add3A_545 = arith.constant 198 : i32
    %add3A_546 = arith.addi %mul3A_6, %add3A_545 : i32
    %iota3A_547 = tpu.iota {dimensions = array<i32: 0>} : vector<16xi32>
    %add3A_548 = arith.constant 0 : i32
    %add3A_549 = vector.broadcast %add3A_548 : i32 to vector<16xi32>
    %add3A_550 = arith.addi %iota3A_547, %add3A_549 : vector<16xi32>
    %mul3A_551 = arith.constant 200 : i32
    %mul3A_552 = vector.broadcast %mul3A_551 : i32 to vector<16xi32>
    %mul3A_553 = arith.muli %add3A_550, %mul3A_552 : vector<16xi32>
    %add3A_554 = vector.broadcast %add3A_546 : i32 to vector<16xi32>
    %add3A_555 = arith.addi %mul3A_553, %add3A_554 : vector<16xi32>
    %swap3A_556 = arith.constant 0 : index
    %swap3A_557 = tpu.vector_load %arg11[%swap3A_556] {strides = array<i32>} : memref<128xi32, #tpu.memory_space<vmem>>, vector<16xi32>,
    %swap3A_558 = vector.shape_cast %swap3A_557 : vector<16xi32> to vector<16xi32>
    %swap3A_559 = vector.shape_cast %add3A_555 : vector<16xi32> to vector<16xi32>
    tpu.vector_store %arg11[%swap3A_556], %swap3A_559 {strides = array<i32>} : memref<128xi32, #tpu.memory_space<vmem>>, vector<16xi32>,
    %iota3A_560 = tpu.iota {dimensions = array<i32: 0>} : vector<16xi32>
    %add3A_561 = arith.constant 16 : i32
    %add3A_562 = vector.broadcast %add3A_561 : i32 to vector<16xi32>
    %add3A_563 = arith.addi %iota3A_560, %add3A_562 : vector<16xi32>
    %mul3A_564 = arith.constant 200 : i32
    %mul3A_565 = vector.broadcast %mul3A_564 : i32 to vector<16xi32>
    %mul3A_566 = arith.muli %add3A_563, %mul3A_565 : vector<16xi32>
    %add3A_567 = vector.broadcast %add3A_546 : i32 to vector<16xi32>
    %add3A_568 = arith.addi %mul3A_566, %add3A_567 : vector<16xi32>
    %swap3A_569 = arith.constant 16 : index
    %swap3A_570 = tpu.vector_load %arg11[%swap3A_569] {strides = array<i32>} : memref<128xi32, #tpu.memory_space<vmem>>, vector<16xi32>,
    %swap3A_571 = vector.shape_cast %swap3A_570 : vector<16xi32> to vector<16xi32>
    %swap3A_572 = vector.shape_cast %add3A_568 : vector<16xi32> to vector<16xi32>
    tpu.vector_store %arg11[%swap3A_569], %swap3A_572 {strides = array<i32>} : memref<128xi32, #tpu.memory_space<vmem>>, vector<16xi32>,
    %iota3A_573 = tpu.iota {dimensions = array<i32: 0>} : vector<16xi32>
    %add3A_574 = arith.constant 32 : i32
    %add3A_575 = vector.broadcast %add3A_574 : i32 to vector<16xi32>
    %add3A_576 = arith.addi %iota3A_573, %add3A_575 : vector<16xi32>
    %mul3A_577 = arith.constant 200 : i32
    %mul3A_578 = vector.broadcast %mul3A_577 : i32 to vector<16xi32>
    %mul3A_579 = arith.muli %add3A_576, %mul3A_578 : vector<16xi32>
    %add3A_580 = vector.broadcast %add3A_546 : i32 to vector<16xi32>
    %add3A_581 = arith.addi %mul3A_579, %add3A_580 : vector<16xi32>
    %swap3A_582 = arith.constant 32 : index
    %swap3A_583 = tpu.vector_load %arg11[%swap3A_582] {strides = array<i32>} : memref<128xi32, #tpu.memory_space<vmem>>, vector<16xi32>,
    %swap3A_584 = vector.shape_cast %swap3A_583 : vector<16xi32> to vector<16xi32>
    %swap3A_585 = vector.shape_cast %add3A_581 : vector<16xi32> to vector<16xi32>
    tpu.vector_store %arg11[%swap3A_582], %swap3A_585 {strides = array<i32>} : memref<128xi32, #tpu.memory_space<vmem>>, vector<16xi32>,
    %iota3A_586 = tpu.iota {dimensions = array<i32: 0>} : vector<16xi32>
    %add3A_587 = arith.constant 48 : i32
    %add3A_588 = vector.broadcast %add3A_587 : i32 to vector<16xi32>
    %add3A_589 = arith.addi %iota3A_586, %add3A_588 : vector<16xi32>
    %mul3A_590 = arith.constant 200 : i32
    %mul3A_591 = vector.broadcast %mul3A_590 : i32 to vector<16xi32>
    %mul3A_592 = arith.muli %add3A_589, %mul3A_591 : vector<16xi32>
    %add3A_593 = vector.broadcast %add3A_546 : i32 to vector<16xi32>
    %add3A_594 = arith.addi %mul3A_592, %add3A_593 : vector<16xi32>
    %swap3A_595 = arith.constant 48 : index
    %swap3A_596 = tpu.vector_load %arg11[%swap3A_595] {strides = array<i32>} : memref<128xi32, #tpu.memory_space<vmem>>, vector<16xi32>,
    %swap3A_597 = vector.shape_cast %swap3A_596 : vector<16xi32> to vector<16xi32>
    %swap3A_598 = vector.shape_cast %add3A_594 : vector<16xi32> to vector<16xi32>
    tpu.vector_store %arg11[%swap3A_595], %swap3A_598 {strides = array<i32>} : memref<128xi32, #tpu.memory_space<vmem>>, vector<16xi32>,
    %iota3A_599 = tpu.iota {dimensions = array<i32: 0>} : vector<16xi32>
    %add3A_600 = arith.constant 64 : i32
    %add3A_601 = vector.broadcast %add3A_600 : i32 to vector<16xi32>
    %add3A_602 = arith.addi %iota3A_599, %add3A_601 : vector<16xi32>
    %mul3A_603 = arith.constant 200 : i32
    %mul3A_604 = vector.broadcast %mul3A_603 : i32 to vector<16xi32>
    %mul3A_605 = arith.muli %add3A_602, %mul3A_604 : vector<16xi32>
    %add3A_606 = vector.broadcast %add3A_546 : i32 to vector<16xi32>
    %add3A_607 = arith.addi %mul3A_605, %add3A_606 : vector<16xi32>
    %swap3A_608 = arith.constant 64 : index
    %swap3A_609 = tpu.vector_load %arg11[%swap3A_608] {strides = array<i32>} : memref<128xi32, #tpu.memory_space<vmem>>, vector<16xi32>,
    %swap3A_610 = vector.shape_cast %swap3A_609 : vector<16xi32> to vector<16xi32>
    %swap3A_611 = vector.shape_cast %add3A_607 : vector<16xi32> to vector<16xi32>
    tpu.vector_store %arg11[%swap3A_608], %swap3A_611 {strides = array<i32>} : memref<128xi32, #tpu.memory_space<vmem>>, vector<16xi32>,
    %iota3A_612 = tpu.iota {dimensions = array<i32: 0>} : vector<16xi32>
    %add3A_613 = arith.constant 80 : i32
    %add3A_614 = vector.broadcast %add3A_613 : i32 to vector<16xi32>
    %add3A_615 = arith.addi %iota3A_612, %add3A_614 : vector<16xi32>
    %mul3A_616 = arith.constant 200 : i32
    %mul3A_617 = vector.broadcast %mul3A_616 : i32 to vector<16xi32>
    %mul3A_618 = arith.muli %add3A_615, %mul3A_617 : vector<16xi32>
    %add3A_619 = vector.broadcast %add3A_546 : i32 to vector<16xi32>
    %add3A_620 = arith.addi %mul3A_618, %add3A_619 : vector<16xi32>
    %swap3A_621 = arith.constant 80 : index
    %swap3A_622 = tpu.vector_load %arg11[%swap3A_621] {strides = array<i32>} : memref<128xi32, #tpu.memory_space<vmem>>, vector<16xi32>,
    %swap3A_623 = vector.shape_cast %swap3A_622 : vector<16xi32> to vector<16xi32>
    %swap3A_624 = vector.shape_cast %add3A_620 : vector<16xi32> to vector<16xi32>
    tpu.vector_store %arg11[%swap3A_621], %swap3A_624 {strides = array<i32>} : memref<128xi32, #tpu.memory_space<vmem>>, vector<16xi32>,
    %iota3A_625 = tpu.iota {dimensions = array<i32: 0>} : vector<16xi32>
    %add3A_626 = arith.constant 96 : i32
    %add3A_627 = vector.broadcast %add3A_626 : i32 to vector<16xi32>
    %add3A_628 = arith.addi %iota3A_625, %add3A_627 : vector<16xi32>
    %mul3A_629 = arith.constant 200 : i32
    %mul3A_630 = vector.broadcast %mul3A_629 : i32 to vector<16xi32>
    %mul3A_631 = arith.muli %add3A_628, %mul3A_630 : vector<16xi32>
    %add3A_632 = vector.broadcast %add3A_546 : i32 to vector<16xi32>
    %add3A_633 = arith.addi %mul3A_631, %add3A_632 : vector<16xi32>
    %swap3A_634 = arith.constant 96 : index
    %swap3A_635 = tpu.vector_load %arg11[%swap3A_634] {strides = array<i32>} : memref<128xi32, #tpu.memory_space<vmem>>, vector<16xi32>,
    %swap3A_636 = vector.shape_cast %swap3A_635 : vector<16xi32> to vector<16xi32>
    %swap3A_637 = vector.shape_cast %add3A_633 : vector<16xi32> to vector<16xi32>
    tpu.vector_store %arg11[%swap3A_634], %swap3A_637 {strides = array<i32>} : memref<128xi32, #tpu.memory_space<vmem>>, vector<16xi32>,
    %iota3A_638 = tpu.iota {dimensions = array<i32: 0>} : vector<16xi32>
    %add3A_639 = arith.constant 112 : i32
    %add3A_640 = vector.broadcast %add3A_639 : i32 to vector<16xi32>
    %add3A_641 = arith.addi %iota3A_638, %add3A_640 : vector<16xi32>
    %mul3A_642 = arith.constant 200 : i32
    %mul3A_643 = vector.broadcast %mul3A_642 : i32 to vector<16xi32>
    %mul3A_644 = arith.muli %add3A_641, %mul3A_643 : vector<16xi32>
    %add3A_645 = vector.broadcast %add3A_546 : i32 to vector<16xi32>
    %add3A_646 = arith.addi %mul3A_644, %add3A_645 : vector<16xi32>
    %swap3A_647 = arith.constant 112 : index
    %swap3A_648 = tpu.vector_load %arg11[%swap3A_647] {strides = array<i32>} : memref<128xi32, #tpu.memory_space<vmem>>, vector<16xi32>,
    %swap3A_649 = vector.shape_cast %swap3A_648 : vector<16xi32> to vector<16xi32>
    %swap3A_650 = vector.shape_cast %add3A_646 : vector<16xi32> to vector<16xi32>
    tpu.vector_store %arg11[%swap3A_647], %swap3A_650 {strides = array<i32>} : memref<128xi32, #tpu.memory_space<vmem>>, vector<16xi32>,
    %get3A_651 = arith.constant 198 : i32
    %get3A_652 = arith.index_cast %get3A_651 : i32 to index
    %get3A_653 = arith.constant 0 : index
    %get3A_654 = tpu.vector_load %arg7[%get3A_652, %get3A_653] {strides = array<i32>} : memref<200x128xf32, #tpu.memory_space<vmem>>, vector<1x16xf32>,
    %get3A_655 = vector.shape_cast %get3A_654 : vector<1x16xf32> to vector<16xf32>
    %get3A_656 = arith.constant 198 : i32
    %get3A_657 = arith.index_cast %get3A_656 : i32 to index
    %get3A_658 = arith.constant 16 : index
    %get3A_659 = tpu.vector_load %arg7[%get3A_657, %get3A_658] {strides = array<i32>} : memref<200x128xf32, #tpu.memory_space<vmem>>, vector<1x16xf32>,
    %get3A_660 = vector.shape_cast %get3A_659 : vector<1x16xf32> to vector<16xf32>
    %get3A_661 = arith.constant 198 : i32
    %get3A_662 = arith.index_cast %get3A_661 : i32 to index
    %get3A_663 = arith.constant 32 : index
    %get3A_664 = tpu.vector_load %arg7[%get3A_662, %get3A_663] {strides = array<i32>} : memref<200x128xf32, #tpu.memory_space<vmem>>, vector<1x16xf32>,
    %get3A_665 = vector.shape_cast %get3A_664 : vector<1x16xf32> to vector<16xf32>
    %get3A_666 = arith.constant 198 : i32
    %get3A_667 = arith.index_cast %get3A_666 : i32 to index
    %get3A_668 = arith.constant 48 : index
    %get3A_669 = tpu.vector_load %arg7[%get3A_667, %get3A_668] {strides = array<i32>} : memref<200x128xf32, #tpu.memory_space<vmem>>, vector<1x16xf32>,
    %get3A_670 = vector.shape_cast %get3A_669 : vector<1x16xf32> to vector<16xf32>
    %get3A_671 = arith.constant 198 : i32
    %get3A_672 = arith.index_cast %get3A_671 : i32 to index
    %get3A_673 = arith.constant 64 : index
    %get3A_674 = tpu.vector_load %arg7[%get3A_672, %get3A_673] {strides = array<i32>} : memref<200x128xf32, #tpu.memory_space<vmem>>, vector<1x16xf32>,
    %get3A_675 = vector.shape_cast %get3A_674 : vector<1x16xf32> to vector<16xf32>
    %get3A_676 = arith.constant 198 : i32
    %get3A_677 = arith.index_cast %get3A_676 : i32 to index
    %get3A_678 = arith.constant 80 : index
    %get3A_679 = tpu.vector_load %arg7[%get3A_677, %get3A_678] {strides = array<i32>} : memref<200x128xf32, #tpu.memory_space<vmem>>, vector<1x16xf32>,
    %get3A_680 = vector.shape_cast %get3A_679 : vector<1x16xf32> to vector<16xf32>
    %get3A_681 = arith.constant 198 : i32
    %get3A_682 = arith.index_cast %get3A_681 : i32 to index
    %get3A_683 = arith.constant 96 : index
    %get3A_684 = tpu.vector_load %arg7[%get3A_682, %get3A_683] {strides = array<i32>} : memref<200x128xf32, #tpu.memory_space<vmem>>, vector<1x16xf32>,
    %get3A_685 = vector.shape_cast %get3A_684 : vector<1x16xf32> to vector<16xf32>
    %get3A_686 = arith.constant 198 : i32
    %get3A_687 = arith.index_cast %get3A_686 : i32 to index
    %get3A_688 = arith.constant 112 : index
    %get3A_689 = tpu.vector_load %arg7[%get3A_687, %get3A_688] {strides = array<i32>} : memref<200x128xf32, #tpu.memory_space<vmem>>, vector<1x16xf32>,
    %get3A_690 = vector.shape_cast %get3A_689 : vector<1x16xf32> to vector<16xf32>
    %dma_wait3A_691 = arith.constant 25472 : i32
    %dma_wait3A_692 = tpu.memref_slice %arg6[%dma_wait3A_691] : memref<25600xi32, #tpu.memory_space<vmem>> -> memref<128xi32, #tpu.memory_space<vmem>>
    %dma_wait3A_693 = arith.constant 0 : i32
    %dma_wait3A_694 = arith.constant 0 : i32
    %dma_wait3A_695 = tpu.memref_slice %arg3[%dma_wait3A_693, %dma_wait3A_694] : memref<100000x128xf32, #tpu.memory_space<hbm>> -> memref<100000x128xf32, #tpu.memory_space<hbm>>
    tpu.wait_indirect_dma semaphore(%arg15 : memref<!tpu.dma_semaphore, #tpu.memory_space<semaphore_mem>>) src(%dma_wait3A_695 : memref<100000x128xf32, #tpu.memory_space<hbm>>) dst(%arg9 : memref<128x128xf32, #tpu.memory_space<vmem>>)
    %add3A_696 = arith.constant 199 : i32
    %add3A_697 = arith.addi %mul3A_6, %add3A_696 : i32
    %iota3A_698 = tpu.iota {dimensions = array<i32: 0>} : vector<16xi32>
    %add3A_699 = arith.constant 0 : i32
    %add3A_700 = vector.broadcast %add3A_699 : i32 to vector<16xi32>
    %add3A_701 = arith.addi %iota3A_698, %add3A_700 : vector<16xi32>
    %mul3A_702 = arith.constant 200 : i32
    %mul3A_703 = vector.broadcast %mul3A_702 : i32 to vector<16xi32>
    %mul3A_704 = arith.muli %add3A_701, %mul3A_703 : vector<16xi32>
    %add3A_705 = vector.broadcast %add3A_697 : i32 to vector<16xi32>
    %add3A_706 = arith.addi %mul3A_704, %add3A_705 : vector<16xi32>
    %swap3A_707 = arith.constant 0 : index
    %swap3A_708 = tpu.vector_load %arg12[%swap3A_707] {strides = array<i32>} : memref<128xi32, #tpu.memory_space<vmem>>, vector<16xi32>,
    %swap3A_709 = vector.shape_cast %swap3A_708 : vector<16xi32> to vector<16xi32>
    %swap3A_710 = vector.shape_cast %add3A_706 : vector<16xi32> to vector<16xi32>
    tpu.vector_store %arg12[%swap3A_707], %swap3A_710 {strides = array<i32>} : memref<128xi32, #tpu.memory_space<vmem>>, vector<16xi32>,
    %iota3A_711 = tpu.iota {dimensions = array<i32: 0>} : vector<16xi32>
    %add3A_712 = arith.constant 16 : i32
    %add3A_713 = vector.broadcast %add3A_712 : i32 to vector<16xi32>
    %add3A_714 = arith.addi %iota3A_711, %add3A_713 : vector<16xi32>
    %mul3A_715 = arith.constant 200 : i32
    %mul3A_716 = vector.broadcast %mul3A_715 : i32 to vector<16xi32>
    %mul3A_717 = arith.muli %add3A_714, %mul3A_716 : vector<16xi32>
    %add3A_718 = vector.broadcast %add3A_697 : i32 to vector<16xi32>
    %add3A_719 = arith.addi %mul3A_717, %add3A_718 : vector<16xi32>
    %swap3A_720 = arith.constant 16 : index
    %swap3A_721 = tpu.vector_load %arg12[%swap3A_720] {strides = array<i32>} : memref<128xi32, #tpu.memory_space<vmem>>, vector<16xi32>,
    %swap3A_722 = vector.shape_cast %swap3A_721 : vector<16xi32> to vector<16xi32>
    %swap3A_723 = vector.shape_cast %add3A_719 : vector<16xi32> to vector<16xi32>
    tpu.vector_store %arg12[%swap3A_720], %swap3A_723 {strides = array<i32>} : memref<128xi32, #tpu.memory_space<vmem>>, vector<16xi32>,
    %iota3A_724 = tpu.iota {dimensions = array<i32: 0>} : vector<16xi32>
    %add3A_725 = arith.constant 32 : i32
    %add3A_726 = vector.broadcast %add3A_725 : i32 to vector<16xi32>
    %add3A_727 = arith.addi %iota3A_724, %add3A_726 : vector<16xi32>
    %mul3A_728 = arith.constant 200 : i32
    %mul3A_729 = vector.broadcast %mul3A_728 : i32 to vector<16xi32>
    %mul3A_730 = arith.muli %add3A_727, %mul3A_729 : vector<16xi32>
    %add3A_731 = vector.broadcast %add3A_697 : i32 to vector<16xi32>
    %add3A_732 = arith.addi %mul3A_730, %add3A_731 : vector<16xi32>
    %swap3A_733 = arith.constant 32 : index
    %swap3A_734 = tpu.vector_load %arg12[%swap3A_733] {strides = array<i32>} : memref<128xi32, #tpu.memory_space<vmem>>, vector<16xi32>,
    %swap3A_735 = vector.shape_cast %swap3A_734 : vector<16xi32> to vector<16xi32>
    %swap3A_736 = vector.shape_cast %add3A_732 : vector<16xi32> to vector<16xi32>
    tpu.vector_store %arg12[%swap3A_733], %swap3A_736 {strides = array<i32>} : memref<128xi32, #tpu.memory_space<vmem>>, vector<16xi32>,
    %iota3A_737 = tpu.iota {dimensions = array<i32: 0>} : vector<16xi32>
    %add3A_738 = arith.constant 48 : i32
    %add3A_739 = vector.broadcast %add3A_738 : i32 to vector<16xi32>
    %add3A_740 = arith.addi %iota3A_737, %add3A_739 : vector<16xi32>
    %mul3A_741 = arith.constant 200 : i32
    %mul3A_742 = vector.broadcast %mul3A_741 : i32 to vector<16xi32>
    %mul3A_743 = arith.muli %add3A_740, %mul3A_742 : vector<16xi32>
    %add3A_744 = vector.broadcast %add3A_697 : i32 to vector<16xi32>
    %add3A_745 = arith.addi %mul3A_743, %add3A_744 : vector<16xi32>
    %swap3A_746 = arith.constant 48 : index
    %swap3A_747 = tpu.vector_load %arg12[%swap3A_746] {strides = array<i32>} : memref<128xi32, #tpu.memory_space<vmem>>, vector<16xi32>,
    %swap3A_748 = vector.shape_cast %swap3A_747 : vector<16xi32> to vector<16xi32>
    %swap3A_749 = vector.shape_cast %add3A_745 : vector<16xi32> to vector<16xi32>
    tpu.vector_store %arg12[%swap3A_746], %swap3A_749 {strides = array<i32>} : memref<128xi32, #tpu.memory_space<vmem>>, vector<16xi32>,
    %iota3A_750 = tpu.iota {dimensions = array<i32: 0>} : vector<16xi32>
    %add3A_751 = arith.constant 64 : i32
    %add3A_752 = vector.broadcast %add3A_751 : i32 to vector<16xi32>
    %add3A_753 = arith.addi %iota3A_750, %add3A_752 : vector<16xi32>
    %mul3A_754 = arith.constant 200 : i32
    %mul3A_755 = vector.broadcast %mul3A_754 : i32 to vector<16xi32>
    %mul3A_756 = arith.muli %add3A_753, %mul3A_755 : vector<16xi32>
    %add3A_757 = vector.broadcast %add3A_697 : i32 to vector<16xi32>
    %add3A_758 = arith.addi %mul3A_756, %add3A_757 : vector<16xi32>
    %swap3A_759 = arith.constant 64 : index
    %swap3A_760 = tpu.vector_load %arg12[%swap3A_759] {strides = array<i32>} : memref<128xi32, #tpu.memory_space<vmem>>, vector<16xi32>,
    %swap3A_761 = vector.shape_cast %swap3A_760 : vector<16xi32> to vector<16xi32>
    %swap3A_762 = vector.shape_cast %add3A_758 : vector<16xi32> to vector<16xi32>
    tpu.vector_store %arg12[%swap3A_759], %swap3A_762 {strides = array<i32>} : memref<128xi32, #tpu.memory_space<vmem>>, vector<16xi32>,
    %iota3A_763 = tpu.iota {dimensions = array<i32: 0>} : vector<16xi32>
    %add3A_764 = arith.constant 80 : i32
    %add3A_765 = vector.broadcast %add3A_764 : i32 to vector<16xi32>
    %add3A_766 = arith.addi %iota3A_763, %add3A_765 : vector<16xi32>
    %mul3A_767 = arith.constant 200 : i32
    %mul3A_768 = vector.broadcast %mul3A_767 : i32 to vector<16xi32>
    %mul3A_769 = arith.muli %add3A_766, %mul3A_768 : vector<16xi32>
    %add3A_770 = vector.broadcast %add3A_697 : i32 to vector<16xi32>
    %add3A_771 = arith.addi %mul3A_769, %add3A_770 : vector<16xi32>
    %swap3A_772 = arith.constant 80 : index
    %swap3A_773 = tpu.vector_load %arg12[%swap3A_772] {strides = array<i32>} : memref<128xi32, #tpu.memory_space<vmem>>, vector<16xi32>,
    %swap3A_774 = vector.shape_cast %swap3A_773 : vector<16xi32> to vector<16xi32>
    %swap3A_775 = vector.shape_cast %add3A_771 : vector<16xi32> to vector<16xi32>
    tpu.vector_store %arg12[%swap3A_772], %swap3A_775 {strides = array<i32>} : memref<128xi32, #tpu.memory_space<vmem>>, vector<16xi32>,
    %iota3A_776 = tpu.iota {dimensions = array<i32: 0>} : vector<16xi32>
    %add3A_777 = arith.constant 96 : i32
    %add3A_778 = vector.broadcast %add3A_777 : i32 to vector<16xi32>
    %add3A_779 = arith.addi %iota3A_776, %add3A_778 : vector<16xi32>
    %mul3A_780 = arith.constant 200 : i32
    %mul3A_781 = vector.broadcast %mul3A_780 : i32 to vector<16xi32>
    %mul3A_782 = arith.muli %add3A_779, %mul3A_781 : vector<16xi32>
    %add3A_783 = vector.broadcast %add3A_697 : i32 to vector<16xi32>
    %add3A_784 = arith.addi %mul3A_782, %add3A_783 : vector<16xi32>
    %swap3A_785 = arith.constant 96 : index
    %swap3A_786 = tpu.vector_load %arg12[%swap3A_785] {strides = array<i32>} : memref<128xi32, #tpu.memory_space<vmem>>, vector<16xi32>,
    %swap3A_787 = vector.shape_cast %swap3A_786 : vector<16xi32> to vector<16xi32>
    %swap3A_788 = vector.shape_cast %add3A_784 : vector<16xi32> to vector<16xi32>
    tpu.vector_store %arg12[%swap3A_785], %swap3A_788 {strides = array<i32>} : memref<128xi32, #tpu.memory_space<vmem>>, vector<16xi32>,
    %iota3A_789 = tpu.iota {dimensions = array<i32: 0>} : vector<16xi32>
    %add3A_790 = arith.constant 112 : i32
    %add3A_791 = vector.broadcast %add3A_790 : i32 to vector<16xi32>
    %add3A_792 = arith.addi %iota3A_789, %add3A_791 : vector<16xi32>
    %mul3A_793 = arith.constant 200 : i32
    %mul3A_794 = vector.broadcast %mul3A_793 : i32 to vector<16xi32>
    %mul3A_795 = arith.muli %add3A_792, %mul3A_794 : vector<16xi32>
    %add3A_796 = vector.broadcast %add3A_697 : i32 to vector<16xi32>
    %add3A_797 = arith.addi %mul3A_795, %add3A_796 : vector<16xi32>
    %swap3A_798 = arith.constant 112 : index
    %swap3A_799 = tpu.vector_load %arg12[%swap3A_798] {strides = array<i32>} : memref<128xi32, #tpu.memory_space<vmem>>, vector<16xi32>,
    %swap3A_800 = vector.shape_cast %swap3A_799 : vector<16xi32> to vector<16xi32>
    %swap3A_801 = vector.shape_cast %add3A_797 : vector<16xi32> to vector<16xi32>
    tpu.vector_store %arg12[%swap3A_798], %swap3A_801 {strides = array<i32>} : memref<128xi32, #tpu.memory_space<vmem>>, vector<16xi32>,
    %get3A_802 = arith.constant 199 : i32
    %get3A_803 = arith.index_cast %get3A_802 : i32 to index
    %get3A_804 = arith.constant 0 : index
    %get3A_805 = tpu.vector_load %arg7[%get3A_803, %get3A_804] {strides = array<i32>} : memref<200x128xf32, #tpu.memory_space<vmem>>, vector<1x16xf32>,
    %get3A_806 = vector.shape_cast %get3A_805 : vector<1x16xf32> to vector<16xf32>
    %get3A_807 = arith.constant 199 : i32
    %get3A_808 = arith.index_cast %get3A_807 : i32 to index
    %get3A_809 = arith.constant 16 : index
    %get3A_810 = tpu.vector_load %arg7[%get3A_808, %get3A_809] {strides = array<i32>} : memref<200x128xf32, #tpu.memory_space<vmem>>, vector<1x16xf32>,
    %get3A_811 = vector.shape_cast %get3A_810 : vector<1x16xf32> to vector<16xf32>
    %get3A_812 = arith.constant 199 : i32
    %get3A_813 = arith.index_cast %get3A_812 : i32 to index
    %get3A_814 = arith.constant 32 : index
    %get3A_815 = tpu.vector_load %arg7[%get3A_813, %get3A_814] {strides = array<i32>} : memref<200x128xf32, #tpu.memory_space<vmem>>, vector<1x16xf32>,
    %get3A_816 = vector.shape_cast %get3A_815 : vector<1x16xf32> to vector<16xf32>
    %get3A_817 = arith.constant 199 : i32
    %get3A_818 = arith.index_cast %get3A_817 : i32 to index
    %get3A_819 = arith.constant 48 : index
    %get3A_820 = tpu.vector_load %arg7[%get3A_818, %get3A_819] {strides = array<i32>} : memref<200x128xf32, #tpu.memory_space<vmem>>, vector<1x16xf32>,
    %get3A_821 = vector.shape_cast %get3A_820 : vector<1x16xf32> to vector<16xf32>
    %get3A_822 = arith.constant 199 : i32
    %get3A_823 = arith.index_cast %get3A_822 : i32 to index
    %get3A_824 = arith.constant 64 : index
    %get3A_825 = tpu.vector_load %arg7[%get3A_823, %get3A_824] {strides = array<i32>} : memref<200x128xf32, #tpu.memory_space<vmem>>, vector<1x16xf32>,
    %get3A_826 = vector.shape_cast %get3A_825 : vector<1x16xf32> to vector<16xf32>
    %get3A_827 = arith.constant 199 : i32
    %get3A_828 = arith.index_cast %get3A_827 : i32 to index
    %get3A_829 = arith.constant 80 : index
    %get3A_830 = tpu.vector_load %arg7[%get3A_828, %get3A_829] {strides = array<i32>} : memref<200x128xf32, #tpu.memory_space<vmem>>, vector<1x16xf32>,
    %get3A_831 = vector.shape_cast %get3A_830 : vector<1x16xf32> to vector<16xf32>
    %get3A_832 = arith.constant 199 : i32
    %get3A_833 = arith.index_cast %get3A_832 : i32 to index
    %get3A_834 = arith.constant 96 : index
    %get3A_835 = tpu.vector_load %arg7[%get3A_833, %get3A_834] {strides = array<i32>} : memref<200x128xf32, #tpu.memory_space<vmem>>, vector<1x16xf32>,
    %get3A_836 = vector.shape_cast %get3A_835 : vector<1x16xf32> to vector<16xf32>
    %get3A_837 = arith.constant 199 : i32
    %get3A_838 = arith.index_cast %get3A_837 : i32 to index
    %get3A_839 = arith.constant 112 : index
    %get3A_840 = tpu.vector_load %arg7[%get3A_838, %get3A_839] {strides = array<i32>} : memref<200x128xf32, #tpu.memory_space<vmem>>, vector<1x16xf32>,
    %get3A_841 = vector.shape_cast %get3A_840 : vector<1x16xf32> to vector<16xf32>
    return
  }
}

</mosaic_0001>

<sc_bundles>
// kernel: kernel.3.cloned.1.call-start
scs
__scs_entry_jumppad:
0x0: {  	(pc) =	sbr.rel $0x88, $3  }
0x1: {  	(tag) =	ssettag $0x0;
	lr =	simm.s32 $0x1  }
0x2: {  	[smem:$0x3F9F] =	sst lr;
	_ =	strace $0xD0000000  }
0x3: {  	_ = 	snop  }
0x4: {  	_ = 	snop  }
0x5: {  	_ = 	snop  }
0x6: {  	_ = 	snop  }
0x7: {  	_ = 	snop  }
__scs_overlays_trampoline_lowered:
0x8: {  	[smem:$0x3FAE] =	sst s0  }
0x9: {  	[smem:$0x3FAF] =	sst s1  }
0xa: {  	[smem:$0x3FB0] =	sst s2  }
0xb: {  	[smem:$0x3FB1] =	sst s3  }
0xc: {  	[smem:$0x3FB2] =	sst s4  }
0xd: {  	[smem:$0x3FB3] =	sst s5  }
0xe: {  	[smem:$0x3FB4] =	sst s6  }
0xf: {  	[smem:$0x3FB5] =	sst s7  }
0x10: {  	[smem:$0x3FB6] =	sst s8  }
0x11: {  	[smem:$0x3FB7] =	sst s9;
	s0 =	simm.s32 @!p0 $0x0  }
0x12: {  	s1 =	sld [smem:$0x3F9D];
	s0 =	simm.s32 @p0 $0x1  }
0x13: {  	[smem:$0x3FB8] =	sst s0;
	s0 =	simm.s32 @!p1 $0x0  }
0x14: {  	s2 =	sld [smem:$0x3F9C];
	s0 =	simm.s32 @p1 $0x1  }
0x15: {  	[smem:$0x3FB9] =	sst s0;
	s0 =	simm.s32 @!p2 $0x0  }
0x16: {  	s3 =	sld [smem:$0x3FDB];
	s0 =	simm.s32 @p2 $0x1  }
0x17: {  	s4 =	simm.s32 $0x1BF5;
	[smem:$0x3FBB] =	sst s0  }
0x18: {  	s0 =	sld [smem:$0x3F9E];
	_ =	swait.ge [sflag:s4], $0x0  }
0x19: {  	s7 =	sld [smem:$0x3F9F]  }
0x1a: {  	s8 =	sadd.s32 $0xFFFFE003, lr  }
0x1b: {  	s9 =	sadd.s32 $0xFFFFFEF7, lr;
	s5 =	simm.s32 $0xFFFFFFFF;
	p2 =	slt.u32 s8, $0xFFFFF086  }
0x1c: {  	p1 =	slt.u32 s9, $0xF7A;
	s5 =	simm.s32 @!p2 $0x0  }
0x1d: {  	s5 =	simm.s32 @p1 $0x1;
	p0 =	seq.s32 s7, s2  }
0x1e: {  	s7 =	smul.u32 @!p0 $0xF7A, s2;
	p2 =	seq.s32 @!p0 s5, $0x0  }
0x1f: {  	s9 =	smul.u32 $0xF7A, s1;
	s8 =	simm.s32 @!p0 $0x1BF5;
	p2 =	por !p2, p0  }
0x20: {  	[sflag:s8] =	ssyncset.s32 @!p0 $0xFFFFF086;
	s6 =	sadd.s32 @!p0 s3, s7;
	s7 =	simm.s32 @!p0 $0x108  }
0x21: {  	s3 =	sadd.s32 s3, s9;
	s6 =	sadd.s32 @!p0 $0x88, s6;
	s7 =	simm.s32 @p2 $0x1082  }
0x22: {  	[simem:s7], [sflag:s8] =	dma.local @!p0 [hbm:s6], $0xF7A  }
0x23: {  	s9 =	sor.u32 $0xD0000000, s2;
	s6 =	simm.s32 $0x108;
	_ =	swait.ge @!p0 [sflag:s8], $0x0  }
0x24: {  	s3 =	sadd.s32 $0x88, s3;
	s6 =	simm.s32 @!p1 $0x1082;
	[sflag:s4] =	ssyncset.s32 $0xFFFFF086  }
0x25: {  	[simem:s6], [sflag:s4] =	dma.local [hbm:s3], $0xF7A  }
0x26: {  	[smem:$0x3F9F] =	sst s1;
	(tag) =	ssettag s2;
	_ =	strace s9  }
0x27: {  	s1 =	sld [smem:$0x3FAF]  }
0x28: {  	s2 =	sld [smem:$0x3FB0]  }
0x29: {  	s4 =	sld [smem:$0x3FB2]  }
0x2a: {  	p0 =	seq.s32 s5, $0x0;
	s5 =	sld [smem:$0x3FB3]  }
0x2b: {  	s6 =	sld [smem:$0x3FB4]  }
0x2c: {  	s7 =	sld [smem:$0x3FB5]  }
0x2d: {  	s3 =	simm.s32 $0x108;
	s8 =	sld [smem:$0x3FB6]  }
0x2e: {  	s3 =	simm.s32 @!p0 $0x1082;
	s9 =	sld [smem:$0x3FB7]  }
0x2f: {  	lr =	sadd.s32 s0, s3;
	s0 =	sld [smem:$0x3FAE]  }
0x30: {  	s3 =	sld [smem:$0x3FB1]  }
0x31: {  	[smem:$0x3FBA] =	sst s10  }
0x32: {  	s10 =	sld [smem:$0x3FB8];
	_ =	sdelay $0x3  }
0x33: {  	p0 =	seq.s32 s10, $0x1;
	s10 =	sld [smem:$0x3FBA];
	_ =	sdelay $0x3  }
0x34: {  	[smem:$0x3FBA] =	sst s10  }
0x35: {  	s10 =	sld [smem:$0x3FB9];
	_ =	sdelay $0x3  }
0x36: {  	p1 =	seq.s32 s10, $0x1;
	s10 =	sld [smem:$0x3FBA];
	_ =	sdelay $0x3  }
0x37: {  	[smem:$0x3FBA] =	sst s10  }
0x38: {  	s10 =	sld [smem:$0x3FBB]  }
0x39: {  	_ = 	snop;
	(pc) =	sbr.ind lr, $3  }
0x3a: {  	_ = 	snop  }
0x3b: {  	_ = 	snop  }
0x3c: {  	p2 =	seq.s32 s10, $0x1;
	s10 =	sld [smem:$0x3FBA]  }
0x3d: {  	_ =	shalt  }
0x3e: {  	_ =	shalt  }
0x3f: {  	_ =	shalt  }
0x40: {  	_ =	shalt  }
0x41: {  	_ =	shalt  }
0x42: {  	_ =	shalt  }
0x43: {  	_ =	shalt  }
0x44: {  	_ =	shalt  }
0x45: {  	_ =	shalt  }
0x46: {  	_ =	shalt  }
0x47: {  	_ =	shalt  }
0x48: {  	_ =	shalt  }
0x49: {  	_ =	shalt  }
0x4a: {  	_ =	shalt  }
0x4b: {  	_ =	shalt  }
0x4c: {  	_ =	shalt  }
0x4d: {  	_ =	shalt  }
0x4e: {  	_ =	shalt  }
0x4f: {  	_ =	shalt  }
0x50: {  	_ =	shalt  }
0x51: {  	_ =	shalt  }
0x52: {  	_ =	shalt  }
0x53: {  	_ =	shalt  }
0x54: {  	_ =	shalt  }
0x55: {  	_ =	shalt  }
0x56: {  	_ =	shalt  }
0x57: {  	_ =	shalt  }
0x58: {  	_ =	shalt  }
0x59: {  	_ =	shalt  }
0x5a: {  	_ =	shalt  }
0x5b: {  	_ =	shalt  }
0x5c: {  	_ =	shalt  }
0x5d: {  	_ =	shalt  }
0x5e: {  	_ =	shalt  }
0x5f: {  	_ =	shalt  }
0x60: {  	_ =	shalt  }
0x61: {  	_ =	shalt  }
0x62: {  	_ =	shalt  }
0x63: {  	_ =	shalt  }
0x64: {  	_ =	shalt  }
0x65: {  	_ =	shalt  }
0x66: {  	_ =	shalt  }
0x67: {  	_ =	shalt  }
0x68: {  	_ =	shalt  }
0x69: {  	_ =	shalt  }
0x6a: {  	_ =	shalt  }
0x6b: {  	_ =	shalt  }
0x6c: {  	_ =	shalt  }
0x6d: {  	_ =	shalt  }
0x6e: {  	_ =	shalt  }
0x6f: {  	_ =	shalt  }
0x70: {  	_ =	shalt  }
0x71: {  	_ =	shalt  }
0x72: {  	_ =	shalt  }
0x73: {  	_ =	shalt  }
0x74: {  	_ =	shalt  }
0x75: {  	_ =	shalt  }
0x76: {  	_ =	shalt  }
0x77: {  	_ =	shalt  }
0x78: {  	_ =	shalt  }
0x79: {  	_ =	shalt  }
0x7a: {  	_ =	shalt  }
0x7b: {  	_ =	shalt  }
0x7c: {  	_ =	shalt  }
0x7d: {  	_ =	shalt  }
0x7e: {  	_ =	shalt  }
0x7f: {  	_ =	shalt  }
0x80: {  	_ =	shalt  }
0x81: {  	_ =	shalt  }
0x82: {  	_ =	shalt  }
0x83: {  	_ =	shalt  }
0x84: {  	_ =	shalt  }
0x85: {  	_ =	shalt  }
0x86: {  	_ =	shalt  }
0x87: {  	_ =	shalt  }
.Lfunc_end0:
.L_simem_size_0:
called_computation_lowered:
.L_overlay_start_0:
0x88: {  	s2 =	sld [smem:$0x3FD9]  }
0x89: {  	s3 =	sld [smem:$0x3FFE];
	_ =	sdelay $0x1  }
0x8a: {  	s1 =	srdreg.scid  }
0x8b: {  	s0 =	sand.u32 $0x1, s1  }
0x8c: {  	s17 =	sshll.u32 s0, $0xA;
	s2 =	sadd.s32 s3, s2  }
0x8d: {  	s2 =	sadd.s32 s2, s17  }
0x8e: {  	[smem:$0x3FC6] =	sst s2  }
0x8f: {  	_ = 	snop  }
0x90: {  	s2 =	sld [smem:$0x3FC8];
	(tm) =	ssettm $0x1  }
0x91: {  	s18 =	sld [smem:$0x3FFB];
	_ =	sdelay $0x3  }
0x92: {  	_ =	strace s18  }
0x93: {  	s3 =	sld [smem:$0x3FFC];
	_ =	sdelay $0x3  }
0x94: {  	_ =	strace s3  }
0x95: {  	s3 =	sld [smem:$0x3FFD];
	_ =	sdelay $0x3  }
0x96: {  	_ =	strace s3  }
0x97: {  	_ =	strace $0x8FFFFFFF  }
0x98: {  	s19 =	sld [smem:$0x3FDB];
	_ =	sdelay $0x1  }
0x99: {  	s4 =	simm.s32 $_scs_section_size  }
0x9a: {  	s5 =	simm.s32 $_size__tile_overlayer_lowered;
	s6 =	simm.s32 $_tile_overlayer_lowered  }
0x9b: {  	s22 =	simm.s32 $0x1BFF;
	s21 =	sshll.u32 s6, $0x1;
	s3 =	sadd.s32 s4, s19  }
0x9c: {  	s7 =	simm.s32 $0x0;
	s20 =	sshll.u32 s5, $0x1;
	s5 =	sadd.s32 s21, s3  }
0x9d: {  	[timem:s7], [sflag:s22] =	dma.local [hbm:s5], s20  }
0x9e: {  	_ =	swait.ge [sflag:s22], s20  }
0x9f: {  	s4 =	ssub.s32 $0x0, s20;
	[sflag:s22] =	ssyncset.done $0x0  }
0xa0: {  	[sflag:s22] =	ssyncadd.s32 s4;
	_ =	sdelay $0x1  }
0xa1: {  	s23 =	simm.s32 $0x1B8B  }
0xa2: {  	_ =	swait.ge [sflag:s23], $0x1  }
0xa3: {  	[sflag:s23] =	ssyncset.done $0x0  }
0xa4: {  	s25 =	simm.s32 $0x1B8E;
	s24 =	sld [smem:$0x3FFE];
	[sflag:s23] =	ssyncadd.s32 $0xFFFFFFFF  }
0xa5: {  	s26 =	simm.s32 $execute0_lowered;
	[smem:$0x3FD2] =	sst s25  }
0xa6: {  	s5 =	sshll.u32 s26, $0x1;
	_ =	strace $0x80000046;
	[dreg:$0x1] =	wrdreg $0xFFFFFFFF  }
0xa7: {  	s28 =	simm.s32 $_size_execute0_lowered;
	s3 =	sadd.s32 s3, s5;
	[dreg:$0x0] =	wrdreg $0x0  }
0xa8: {  	s5 =	sshll.u32 s28, $0x1;
	[dreg:$0x2] =	wrdreg s3  }
0xa9: {  	[dreg:$0x3] =	wrdreg s5  }
0xaa: {  	[dreg:$0x4] =	wrdreg $0xC0  }
0xab: {  	_ =	task [dreg:s7], $0x5FFFF  }
0xac: {  	[dreg:$0x1] =	wrdreg $0xFFFFFFFF  }
0xad: {  	[dreg:$0x0] =	wrdreg $0x60  }
0xae: {  	[dreg:$0x2] =	wrdreg s24  }
0xaf: {  	[dreg:$0x3] =	wrdreg s2  }
0xb0: {  	[dreg:$0x4] =	wrdreg $0x9  }
0xb1: {  	_ =	task.clear_ibuf [dreg:s7], $0x5FFFF;
	_ =	strace $0x90000046  }
0xb2: {  	s29 =	simm.s32 $0x9;
	_ =	strace $0x80000048  }
0xb3: {  	_ =	swait.ge [sflag:s29], $0x1  }
0xb4: {  	[sflag:s29] =	ssyncadd.s32 $0xFFFFFFFF  }
0xb5: {  	_ =	strace $0x90000048  }
0xb6: {  	_ =	sfence  }
0xb7: {  	s30 =	sld [smem:$0x0];
	_ =	sdelay $0x2  }
0xb8: {  	s31 =	sshll.u32 s1, $0xD;
	s1 =	sshrl.u32 s1, $0x2  }
0xb9: {  	s3 =	sand.u32 $0x4000, s31;
	s1 =	sadd.s32 s1, s30  }
0xba: {  	s0 =	sor.u32 s3, s0;
	s1 =	sshll.u32 s1, $0x11  }
0xbb: {  	s0 =	sor.u32 s1, s0  }
0xbc: {  	s0 =	sadd.s32 $0x8F2B, s0  }
0xbd: {  	[sflag:s0] =	ssyncadd.remote.s32 $0x1  }
0xbe: {  	_ =	sfence.sel $0xFFFF  }
0xbf: {  	[dreg:$0x0] =	wrdreg $0xFFFFFFFF;
	(pc) =	sbr.abs _section_cstart, $3  }
0xc0: {  	[dreg:$0x1] =	wrdreg $0xFFFFFFFF  }
0xc1: {  	_ =	task.clear_ibuf [dreg:s7], $0x2FFFF;
	_ =	strace $0x9FFFFFFF  }
0xc2: {  	(tm) =	ssettm $0x7FFFFFFF  }
0xc3: {  	_ =	shalt  }
tec
execute0_lowered:
.L_overlay_start_1:
0x0: {  	(tag) =	ssettag $0x1  }
0x1: {  	s0 =	srdreg.scid;
	s8 =	stileid.u32;
	v0 =	vlaneseq.u32  }
0x2: {  	s0 =	sand.u32 $0x1, s0;
	s1 =	sshll.u32 s8, $0x1;
	v0 =	vmul.u32 $0xC8, v0  }
0x3: {  	s1 =	sor.u32 s0, s1  }
0x4: {  	s1 =	smul.u32 $0x6400, s1;
	v2 =	vadd.s32 $0xC80, v0;
	v4 =	vadd.s32 $0x1900, v0  }
0x5: {  	v5 =	vadd.s32 $0x2580, v0;
	v8 =	vadd.s32 $0x3200, v0;
	v10 =	vadd.s32 $0x3E80, v0  }
0x6: {  	s4 =	rddreg [dreg:$0x0];
	v11 =	vadd.s32 $0x4B00, v0;
	v14 =	vadd.s32 $0x5780, v0;
	v1 =	vadd.s32 s1, v0  }
0x7: {  	s2 =	rddreg [dreg:$0x1];
	s3 =	simm.s32 $0x0;
	v3 =	vadd.s32 s1, v2;
	v6 =	vadd.s32 s1, v4;
	v7 =	vadd.s32 s1, v5  }
0x8: {  	s10 =	simm.s32 $0x40;
	s11 =	simm.s32 $0xC800;
	v9 =	vadd.s32 s1, v8;
	v12 =	vadd.s32 s1, v10;
	v13 =	vadd.s32 s1, v11;
	s7 =	sor.u32 $0x1, s1  }
0x9: {  	s12 =	simm.s32 $0xE800;
	s14 =	simm.s32 $0x10800;
	s16 =	simm.s32 $0x12800;
	v15 =	vadd.s32 s1, v14;
	v16 =	vadd.s32 s7, v0;
	v17 =	vadd.s32 s7, v2  }
0xa: {  	s17 =	simm.s32 $0x1;
	s18 =	simm.s32 $0x100;
	s19 =	simm.s32 $0x14800;
	v18 =	vadd.s32 s7, v4;
	v19 =	vadd.s32 s7, v5;
	v20 =	vadd.s32 s7, v8  }
0xb: {  	s20 =	simm.s32 $0x140;
	s21 =	simm.s32 $0x16800;
	s30 =	sor.u32 $0x2, s1;
	v21 =	vadd.s32 s7, v10;
	v22 =	vadd.s32 s7, v11;
	v23 =	vadd.s32 s7, v14  }
0xc: {  	s22 =	simm.s32 $0x2;
	s23 =	simm.s32 $0x180;
	s24 =	simm.s32 $0x1C0;
	v24 =	vadd.s32 s30, v0;
	v25 =	vadd.s32 s30, v2;
	v26 =	vadd.s32 s30, v4  }
0xd: {  	s25 =	simm.s32 $0x3;
	s26 =	simm.s32 $0x200;
	s31 =	sor.u32 $0xC6, s1;
	v27 =	vadd.s32 s30, v5;
	v28 =	vadd.s32 s30, v8;
	v29 =	vadd.s32 s30, v10  }
0xe: {  	s28 =	simm.s32 $0x240;
	s29 =	simm.s32 $0x0;
	s8 =	smul.u32 $0xC800, s8;
	v30 =	vadd.s32 s30, v11;
	v31 =	vadd.s32 s30, v14;
	v32 =	vadd.s32 s31, v0  }
0xf: {  	[smem:$0x7FF] =	sst s3;
	s6 =	ssub.s32 $0x2, s0;
	s0 =	smul.u32 $0x6400, s0;
	v33 =	vadd.s32 s31, v2;
	v34 =	vadd.s32 s31, v4;
	v35 =	vadd.s32 s31, v5  }
0x10: {  	s9 =	sshrl.u32 s6, $0x1;
	s5 =	sshrl.u32 s1, $0x3;
	s1 =	sor.u32 $0xC7, s1;
	v36 =	vadd.s32 s31, v8;
	v37 =	vadd.s32 s31, v10;
	v38 =	vadd.s32 s31, v11  }
0x11: {  	_ =	strace $0x80000047;
	s6 =	ssub.s32 s6, s9;
	s0 =	sadd.s32 s0, s8;
	v39 =	vadd.s32 s31, v14;
	v40 =	vadd.s32 s1, v0;
	v41 =	vadd.s32 s1, v2  }
0x12: {  	s8 =	simm.s32 $0x4;
	s6 =	smax.u32 s6, $0x1;
	s5 =	sadd.s32 s5, s4;
	v42 =	vadd.s32 s1, v4;
	v43 =	vadd.s32 s1, v5;
	v44 =	vadd.s32 s1, v8  }
0x13: {  	s0 =	sor.u32 $0x3, s0;
	s4 =	sadd.s32 $0x19400, s4;
	v45 =	vadd.s32 s1, v10;
	v46 =	vadd.s32 s1, v11;
	v47 =	vadd.s32 s1, v14;
	s5 =	sadd.s32 $0x400, s5  }
.LBB2_1:
0x14: {  	[tilespmem:s3], [sflag:$0x4] =	stream.linear.gather [hbm4b:s5+s3], $0x6400, $0x38;
	[tilespmem:$0x18980] =	vst v63  }
0x15: {  	_ =	swait.ge [sflag:s8], $0x6400  }
0x16: {  	[sflag:s8] =	ssyncset.done $0x0  }
0x17: {  	s1 =	simm.s32 $0x6400;
	[sflag:s8] =	ssyncadd.s32 $0xFFFF9C00  }
0x18: {  	[tilespmem:s1], [sflag:$0x4] =	stream.linear.gather [hbm4b:s4+s3], $0x6400, $0x38;
	[tilespmem:$0x18980] =	vst v63  }
0x19: {  	_ =	swait.ge [sflag:s8], $0x6400  }
0x1a: {  	[sflag:s8] =	ssyncset.done $0x0  }
0x1b: {  	[sflag:s8] =	ssyncadd.s32 $0xFFFF9C00  }
0x1c: {  	[tilespmem:s11], [sflag:$0x1] =	stream.indirect.gather [hbm4b:s2+s10], $0x80, s3, s10, $0xb8;
	[tilespmem:$0x18980] =	vst v63  }
0x1d: {  	_ = 	snop  }
0x1e: {  	[tilespmem:s12], [sflag:$0x1] =	stream.indirect.gather [hbm4b:s2+s10], $0x80, s10, s10, $0xb8;
	[tilespmem:$0x18980] =	vst v63  }
0x1f: {  	s7 =	simm.s32 $0x80  }
0x20: {  	[tilespmem:s14], [sflag:$0x2] =	stream.indirect.gather [hbm4b:s2+s10], $0x80, s7, s10, $0xb8;
	[tilespmem:$0x18980] =	vst v63  }
0x21: {  	s9 =	simm.s32 $0xC0  }
0x22: {  	[tilespmem:s16], [sflag:$0x2] =	stream.indirect.gather [hbm4b:s2+s10], $0x80, s9, s10, $0xb8;
	[tilespmem:$0x18980] =	vst v63  }
0x23: {  	_ =	swait.ge [sflag:s17], $0x4000  }
0x24: {  	[sflag:s17] =	ssyncset.done $0x0  }
0x25: {  	[sflag:s17] =	ssyncadd.s32 $0xFFFFC000  }
0x26: {  	[tilespmem:$0x18800] =	vst v1  }
0x27: {  	[tilespmem:$0x18810] =	vst v3  }
0x28: {  	[tilespmem:$0x18820] =	vst v6  }
0x29: {  	[tilespmem:$0x18830] =	vst v7  }
0x2a: {  	[tilespmem:$0x18840] =	vst v9  }
0x2b: {  	[tilespmem:$0x18850] =	vst v12  }
0x2c: {  	[tilespmem:$0x18860] =	vst v13  }
0x2d: {  	[tilespmem:$0x18870] =	vst v15  }
0x2e: {  	[tilespmem:s19], [sflag:$0x3] =	stream.indirect.gather [hbm4b:s2+s10], $0x80, s18, s10, $0xb8;
	[tilespmem:$0x18980] =	vst v63  }
0x2f: {  	_ = 	snop  }
0x30: {  	[tilespmem:s21], [sflag:$0x3] =	stream.indirect.gather [hbm4b:s2+s10], $0x80, s20, s10, $0xb8;
	[tilespmem:$0x18980] =	vst v63  }
0x31: {  	_ =	swait.ge [sflag:s22], $0x4000  }
0x32: {  	[sflag:s22] =	ssyncset.done $0x0  }
0x33: {  	[sflag:s22] =	ssyncadd.s32 $0xFFFFC000  }
0x34: {  	[tilespmem:$0x18880] =	vst v16  }
0x35: {  	[tilespmem:$0x18890] =	vst v17  }
0x36: {  	[tilespmem:$0x188A0] =	vst v18  }
0x37: {  	[tilespmem:$0x188B0] =	vst v19  }
0x38: {  	[tilespmem:$0x188C0] =	vst v20  }
0x39: {  	[tilespmem:$0x188D0] =	vst v21  }
0x3a: {  	[tilespmem:$0x188E0] =	vst v22  }
0x3b: {  	[tilespmem:$0x188F0] =	vst v23  }
0x3c: {  	[tilespmem:s11], [sflag:$0x1] =	stream.indirect.gather [hbm4b:s2+s10], $0x80, s23, s10, $0xb8;
	[tilespmem:$0x18980] =	vst v63  }
0x3d: {  	_ = 	snop  }
0x3e: {  	[tilespmem:s12], [sflag:$0x1] =	stream.indirect.gather [hbm4b:s2+s10], $0x80, s24, s10, $0xb8;
	[tilespmem:$0x18980] =	vst v63  }
0x3f: {  	_ =	swait.ge [sflag:s25], $0x4000  }
0x40: {  	[sflag:s25] =	ssyncset.done $0x0  }
0x41: {  	[sflag:s25] =	ssyncadd.s32 $0xFFFFC000  }
0x42: {  	[tilespmem:$0x18900] =	vst v24  }
0x43: {  	[tilespmem:$0x18910] =	vst v25  }
0x44: {  	[tilespmem:$0x18920] =	vst v26  }
0x45: {  	[tilespmem:$0x18930] =	vst v27  }
0x46: {  	[tilespmem:$0x18940] =	vst v28  }
0x47: {  	[tilespmem:$0x18950] =	vst v29  }
0x48: {  	[tilespmem:$0x18960] =	vst v30  }
0x49: {  	[tilespmem:$0x18970] =	vst v31  }
0x4a: {  	[tilespmem:s14], [sflag:$0x2] =	stream.indirect.gather [hbm4b:s2+s10], $0x80, s26, s10, $0xb8;
	[tilespmem:$0x18980] =	vst v63  }
0x4b: {  	_ = 	snop  }
0x4c: {  	[tilespmem:s16], [sflag:$0x2] =	stream.indirect.gather [hbm4b:s2+s10], $0x80, s28, s10, $0xb8;
	[tilespmem:$0x18980] =	vst v63  }
0x4d: {  	_ =	swait.ge [sflag:s17], $0x4000  }
0x4e: {  	[sflag:s17] =	ssyncset.done $0x0  }
0x4f: {  	v48 =	vadd.s32 s0, v14;
	[sflag:s17] =	ssyncadd.s32 $0xFFFFC000  }
0x50: {  	v49 =	vadd.s32 s0, v11;
	[tilespmem:$0x18870] =	vst v48  }
0x51: {  	v56 =	vadd.s32 s0, v10;
	[tilespmem:$0x18860] =	vst v49  }
0x52: {  	v57 =	vadd.s32 s0, v8;
	[tilespmem:$0x18850] =	vst v56  }
0x53: {  	v58 =	vadd.s32 s0, v5;
	[tilespmem:$0x18840] =	vst v57  }
0x54: {  	v59 =	vadd.s32 s0, v4;
	[tilespmem:$0x18830] =	vst v58  }
0x55: {  	v60 =	vadd.s32 s0, v0;
	[tilespmem:$0x18820] =	vst v59  }
0x56: {  	v61 =	vadd.s32 s0, v2;
	[tilespmem:$0x18800] =	vst v60  }
0x57: {  	s13 =	simm.s32 $0x280;
	[tilespmem:$0x18810] =	vst v61  }
0x58: {  	[tilespmem:s19], [sflag:$0x3] =	stream.indirect.gather [hbm4b:s2+s10], $0x80, s13, s10, $0xb8;
	[tilespmem:$0x18980] =	vst v63  }
0x59: {  	s15 =	simm.s32 $0x2C0  }
0x5a: {  	[tilespmem:s21], [sflag:$0x3] =	stream.indirect.gather [hbm4b:s2+s10], $0x80, s15, s10, $0xb8;
	[tilespmem:$0x18980] =	vst v63  }
0x5b: {  	_ =	swait.ge [sflag:s22], $0x4000  }
0x5c: {  	s13 =	sadd.s32 $0x1, s0;
	[sflag:s22] =	ssyncset.done $0x0  }
0x5d: {  	v62 =	vadd.s32 s13, v14;
	[sflag:s22] =	ssyncadd.s32 $0xFFFFC000  }
0x5e: {  	v63 =	vadd.s32 s13, v10;
	[tilespmem:$0x188F0] =	vst v62  }
0x5f: {  	s31 =	simm.s32 $0x600;
	v50 =	vadd.s32 s13, v11;
	[tilespmem:$0x188D0] =	vst v63  }
0x60: {  	s30 =	sadd.s32 $0x2, s0;
	s1 =	simm.s32 $0x0;
	s7 =	smov.u32 s0;
	v48 =	vadd.s32 s13, v4;
	v49 =	vadd.s32 s13, v2;
	[tilespmem:$0x188E0] =	vst v50  }
.LBB2_2:
0x61: {  	p0 =	sne.s32 s31, $0x18000  }
0x62: {  	[tilespmem:$0x18890] =	vst v49;
	s7 =	sadd.s32 $0x3, s7;
	s9 =	smov.u32 s31;
	s31 =	sadd.s32 $0x600, s31  }
0x63: {  	s15 =	sadd.s32 $0x2, s7;
	[tilespmem:$0x188A0] =	vst v48;
	v48 =	vadd.s32 s13, v8  }
0x64: {  	v49 =	vadd.s32 s13, v0;
	[tilespmem:$0x188C0] =	vst v48  }
0x65: {  	v48 =	vadd.s32 s13, v5;
	[tilespmem:$0x18880] =	vst v49  }
0x66: {  	s13 =	sadd.s32 $0x300, s1;
	[tilespmem:$0x188B0] =	vst v48  }
0x67: {  	[tilespmem:s11], [sflag:$0x1] =	stream.indirect.gather [hbm4b:s2+s10], $0x80, s13, s10, $0xb8;
	[tilespmem:$0x18980] =	vst v63  }
0x68: {  	s13 =	sadd.s32 $0x340, s1  }
0x69: {  	[tilespmem:s12], [sflag:$0x1] =	stream.indirect.gather [hbm4b:s2+s10], $0x80, s13, s10, $0xb8;
	[tilespmem:$0x18980] =	vst v63  }
0x6a: {  	_ =	swait.ge [sflag:s25], $0x4000  }
0x6b: {  	[sflag:s25] =	ssyncset.done $0x0  }
0x6c: {  	v48 =	vadd.s32 s30, v0;
	[sflag:s25] =	ssyncadd.s32 $0xFFFFC000  }
0x6d: {  	[tilespmem:$0x18900] =	vst v48;
	v48 =	vadd.s32 s30, v2  }
0x6e: {  	[tilespmem:$0x18910] =	vst v48;
	v48 =	vadd.s32 s30, v14  }
0x6f: {  	v49 =	vadd.s32 s30, v11;
	[tilespmem:$0x18970] =	vst v48  }
0x70: {  	v48 =	vadd.s32 s30, v10;
	[tilespmem:$0x18960] =	vst v49  }
0x71: {  	v49 =	vadd.s32 s30, v5;
	[tilespmem:$0x18950] =	vst v48  }
0x72: {  	v48 =	vadd.s32 s30, v4;
	[tilespmem:$0x18930] =	vst v49;
	v49 =	vadd.s32 s30, v8;
	s30 =	smov.u32 s15  }
0x73: {  	s13 =	sadd.s32 $0x380, s1;
	[tilespmem:$0x18940] =	vst v49  }
0x74: {  	s1 =	sadd.s32 $0x3C0, s1;
	[tilespmem:$0x18920] =	vst v48  }
0x75: {  	[tilespmem:s14], [sflag:$0x2] =	stream.indirect.gather [hbm4b:s2+s10], $0x80, s13, s10, $0xb8;
	[tilespmem:$0x18980] =	vst v63  }
0x76: {  	_ = 	snop  }
0x77: {  	[tilespmem:s16], [sflag:$0x2] =	stream.indirect.gather [hbm4b:s2+s10], $0x80, s1, s10, $0xb8;
	[tilespmem:$0x18980] =	vst v63  }
0x78: {  	_ =	swait.ge [sflag:s17], $0x4000  }
0x79: {  	[sflag:s17] =	ssyncset.done $0x0  }
0x7a: {  	v48 =	vadd.s32 s7, v14;
	[sflag:s17] =	ssyncadd.s32 $0xFFFFC000  }
0x7b: {  	v49 =	vadd.s32 s7, v11;
	[tilespmem:$0x18870] =	vst v48  }
0x7c: {  	v48 =	vadd.s32 s7, v10;
	[tilespmem:$0x18860] =	vst v49  }
0x7d: {  	v49 =	vadd.s32 s7, v8;
	[tilespmem:$0x18850] =	vst v48  }
0x7e: {  	v48 =	vadd.s32 s7, v5;
	[tilespmem:$0x18840] =	vst v49  }
0x7f: {  	v49 =	vadd.s32 s7, v4;
	[tilespmem:$0x18830] =	vst v48  }
0x80: {  	v48 =	vadd.s32 s7, v0;
	[tilespmem:$0x18820] =	vst v49  }
0x81: {  	s1 =	sshra.s32 s9, $0x2;
	[tilespmem:$0x18800] =	vst v48;
	v48 =	vadd.s32 s7, v2  }
0x82: {  	s9 =	sadd.s32 $0x280, s1;
	[tilespmem:$0x18810] =	vst v48  }
0x83: {  	[tilespmem:s19], [sflag:$0x3] =	stream.indirect.gather [hbm4b:s2+s10], $0x80, s9, s10, $0xb8;
	[tilespmem:$0x18980] =	vst v63  }
0x84: {  	s9 =	sadd.s32 $0x2C0, s1  }
0x85: {  	[tilespmem:s21], [sflag:$0x3] =	stream.indirect.gather [hbm4b:s2+s10], $0x80, s9, s10, $0xb8;
	[tilespmem:$0x18980] =	vst v63  }
0x86: {  	_ =	swait.ge [sflag:s22], $0x4000  }
.Ltmp0:
0x87: {  	s13 =	sadd.s32 $0x1, s7;
	[sflag:s22] =	ssyncset.done $0x0;
	(pc) =	sbr.rel @p0 .LBB2_2-.Ltmp0, $4  }
0x88: {  	v49 =	vadd.s32 s13, v14;
	v48 =	vadd.s32 s13, v4;
	[sflag:s22] =	ssyncadd.s32 $0xFFFFC000  }
0x89: {  	v50 =	vadd.s32 s13, v10;
	[tilespmem:$0x188F0] =	vst v49  }
0x8a: {  	[tilespmem:$0x188D0] =	vst v50;
	v50 =	vadd.s32 s13, v11  }
0x8b: {  	v49 =	vadd.s32 s13, v2;
	[tilespmem:$0x188E0] =	vst v50  }
0x8c: {  	[tilespmem:$0x18890] =	vst v49  }
0x8d: {  	[tilespmem:$0x188A0] =	vst v48;
	v53 =	vadd.s32 s13, v8  }
0x8e: {  	v54 =	vadd.s32 s13, v0;
	[tilespmem:$0x188C0] =	vst v53  }
0x8f: {  	v55 =	vadd.s32 s13, v5;
	[tilespmem:$0x18880] =	vst v54  }
0x90: {  	s7 =	sadd.s32 $0x300, s1;
	[tilespmem:$0x188B0] =	vst v55  }
0x91: {  	[tilespmem:s11], [sflag:$0x1] =	stream.indirect.gather [hbm4b:s2+s10], $0x80, s7, s10, $0xb8;
	[tilespmem:$0x18980] =	vst v63  }
0x92: {  	s15 =	sadd.s32 $0x340, s1  }
0x93: {  	[tilespmem:s12], [sflag:$0x1] =	stream.indirect.gather [hbm4b:s2+s10], $0x80, s15, s10, $0xb8;
	[tilespmem:$0x18980] =	vst v63  }
0x94: {  	_ =	swait.ge [sflag:s25], $0x4000  }
0x95: {  	[sflag:s25] =	ssyncset.done $0x0  }
0x96: {  	v56 =	vadd.s32 s30, v0;
	[sflag:s25] =	ssyncadd.s32 $0xFFFFC000  }
0x97: {  	v57 =	vadd.s32 s30, v2;
	[tilespmem:$0x18900] =	vst v56  }
0x98: {  	v58 =	vadd.s32 s30, v14;
	[tilespmem:$0x18910] =	vst v57  }
0x99: {  	v59 =	vadd.s32 s30, v11;
	[tilespmem:$0x18970] =	vst v58  }
0x9a: {  	v60 =	vadd.s32 s30, v10;
	[tilespmem:$0x18960] =	vst v59  }
0x9b: {  	v61 =	vadd.s32 s30, v5;
	[tilespmem:$0x18950] =	vst v60  }
0x9c: {  	v62 =	vadd.s32 s30, v8;
	[tilespmem:$0x18930] =	vst v61  }
0x9d: {  	v63 =	vadd.s32 s30, v4;
	[tilespmem:$0x18940] =	vst v62  }
0x9e: {  	s30 =	sadd.s32 $0x380, s1;
	[tilespmem:$0x18920] =	vst v63  }
0x9f: {  	[tilespmem:s14], [sflag:$0x2] =	stream.indirect.gather [hbm4b:s2+s10], $0x80, s30, s10, $0xb8;
	[tilespmem:$0x18980] =	vst v63  }
0xa0: {  	s31 =	sadd.s32 $0x3C0, s1  }
0xa1: {  	[tilespmem:s16], [sflag:$0x2] =	stream.indirect.gather [hbm4b:s2+s10], $0x80, s31, s10, $0xb8;
	[tilespmem:$0x18980] =	vst v63  }
0xa2: {  	_ =	swait.ge [sflag:s17], $0x4000  }
0xa3: {  	[sflag:s17] =	ssyncset.done $0x0  }
0xa4: {  	[sflag:s17] =	ssyncadd.s32 $0xFFFFC000  }
0xa5: {  	[tilespmem:$0x18800] =	vst v32  }
0xa6: {  	[tilespmem:$0x18810] =	vst v33  }
0xa7: {  	[tilespmem:$0x18820] =	vst v34  }
0xa8: {  	[tilespmem:$0x18830] =	vst v35  }
0xa9: {  	[tilespmem:$0x18840] =	vst v36  }
0xaa: {  	[tilespmem:$0x18850] =	vst v37  }
0xab: {  	[tilespmem:$0x18860] =	vst v38  }
0xac: {  	[tilespmem:$0x18870] =	vst v39  }
0xad: {  	_ =	swait.ge [sflag:s22], $0x4000  }
0xae: {  	[sflag:s22] =	ssyncset.done $0x0  }
0xaf: {  	[sflag:s22] =	ssyncadd.s32 $0xFFFFC000  }
0xb0: {  	[tilespmem:$0x18880] =	vst v40  }
0xb1: {  	s29 =	sadd.s32 $0x1, s29;
	[tilespmem:$0x18890] =	vst v41  }
0xb2: {  	p0 =	sne.s32 s29, s6;
	[tilespmem:$0x188A0] =	vst v42  }
.Ltmp1:
0xb3: {  	[tilespmem:$0x188B0] =	vst v43;
	(pc) =	sbr.rel @p0 .LBB2_1-.Ltmp1, $4  }
0xb4: {  	[tilespmem:$0x188C0] =	vst v44  }
0xb5: {  	[tilespmem:$0x188D0] =	vst v45  }
0xb6: {  	[tilespmem:$0x188E0] =	vst v46  }
0xb7: {  	[tilespmem:$0x188F0] =	vst v47  }
0xb8: {  	_ =	sfence.sel $0x180000  }
0xb9: {  	[bflag:$0x0] =	sbarrier.arrive $0xFFFF  }
0xba: {  	_ =	strace $0x90000047  }
0xbb: {  	s0 =	stileid.u32;
	[bflag:$0x2] =	sbarrier.arrive $0xFFFF  }
0xbc: {  	p0 =	sne.s32 s0, $0x0;
	s0 =	rddreg [dreg:$0x2]  }
0xbd: {  	s0 =	sadd.s32 @!p0 $0x100000, s0  }
0xbe: {  	[sflag:s0] =	ssyncadd.tile.s32 @!p0 $0x1;
	_ =	shalt  }
.Lfunc_end2:
_tile_overlayer_lowered:
.L_overlay_start_2:
0xbf: {  	(tag) =	ssettag $0x2  }
0xc0: {  	s0 =	rddreg [dreg:$0x0];
	s2 =	stileid.u32  }
0xc1: {  	s1 =	rddreg [dreg:$0x1];
	p0 =	sne.s32 s2, $0x0  }
0xc2: {  	s3 =	rddreg [dreg:$0x2];
	[bflag:$0x3] =	sbarrier.arrive $0xFFFF;
	s2 =	simm.s32 @!p0 $0x1C04  }
0xc3: {  	[timem:s3], [sflag:s2] =	dma.local @!p0 [hbm:s0], s1  }
0xc4: {  	s0 =	simm.s32 @!p0 $0x4  }
0xc5: {  	_ =	swait.ge @!p0 [sflag:s0], s1  }
0xc6: {  	s1 =	ssub.s32 @!p0 $0x0, s1;
	[sflag:s0] =	ssyncset.done @!p0 $0x0  }
0xc7: {  	[sflag:s0] =	ssyncadd.s32 @!p0 s1  }
0xc8: {  	[bflag:$0x3] =	sbarrier.arrive $0xFFFF  }
0xc9: {  	_ =	shalt  }

</sc_bundles>
